<compile_context>
chip_gen: v7x
topology: tpu7x:2x2x1
jax: 0.10.2.dev20260603
libtpu: 0.0.44.dev20260713+nightly
codegen_flags: <defaults>
</compile_context>

<pallas_src>
import contextlib
import functools

import jax
import jax.numpy as jnp
import numpy as np
from jax import lax
from jax.experimental import pallas as pl
from jax.experimental.pallas import tpu as pltpu
from jax.experimental.pallas import tpu_sc as plsc

B = 16
N = 16384
C = 256
NSAMPLE = 4096

_NC = 2
_NS = 16
_NW = _NC * _NS
_RPW = B * NSAMPLE // _NW
_CHUNK = 64
_NCHUNK = _RPW // _CHUNK


def _gather_body(feat_hbm, xyz_hbm, idxf_hbm,
                 outf_hbm, outx_hbm,
                 idxf_v, outx_v, xyz_v, buf0, buf1, buf2,
                 gsem0, gsem1, gsem2, ssem0, ssem1, ssem2):
    wid = lax.axis_index("s") * _NC + lax.axis_index("c")
    b = wid // 2
    h = wid % 2

    pltpu.sync_copy(idxf_hbm.at[wid], idxf_v)

    gsems = (gsem0, gsem1, gsem2)
    ssems = (ssem0, ssem1, ssem2)
    row_base = wid * _RPW
    bufs = (buf0, buf1, buf2)
    cps = [None, None, None]
    scs = [None, None, None]

    for k in range(2):
        cps[k] = pltpu.async_copy(
            feat_hbm.at[idxf_v.at[k]], bufs[k], gsems[k])

    for d in range(3):
        pltpu.sync_copy(xyz_hbm.at[d, pl.ds(b, 1)],
                        xyz_v.at[pl.ds(d, 1)])

    def _xyz_body(j, carry):
        r = j >> 2
        c = (j & 3) * 16
        ids = idxf_v[r, pl.ds(c, 16)] - b * N
        for d in range(3):
            dvec = jnp.full((16,), d, jnp.int32)
            outx_v[d, pl.ds(j * 16, 16)] = plsc.load_gather(
                xyz_v, [dvec, ids])
        return carry

    lax.fori_loop(0, _RPW // 16, _xyz_body, 0)
    for d in range(3):
        pltpu.sync_copy(outx_v.at[pl.ds(d, 1)],
                        outx_hbm.at[d, pl.ds(b, 1),
                                    pl.ds(h * _RPW, _RPW)])

    def _wait_gather(i, bb):
        pltpu.make_async_copy(
            feat_hbm.at[idxf_v.at[i]], bufs[bb], gsems[bb]).wait()

    def _fire_gather(i, bb):
        pltpu.async_copy(feat_hbm.at[idxf_v.at[i]], bufs[bb], gsems[bb])

    def _fire_store(i, bb):
        pltpu.async_copy(
            bufs[bb], outf_hbm.at[pl.ds(row_base + i * _CHUNK, _CHUNK)],
            ssems[bb])

    def _wait_store(i, bb):
        pltpu.make_async_copy(
            bufs[bb], outf_hbm.at[pl.ds(row_base + i * _CHUNK, _CHUNK)],
            ssems[bb]).wait()

    _wait_gather(0, 0); _fire_store(0, 0); _fire_gather(2, 2)
    _wait_gather(1, 1); _fire_store(1, 1); _wait_store(0, 0); _fire_gather(3, 0)
    _wait_gather(2, 2); _fire_store(2, 2); _wait_store(1, 1); _fire_gather(4, 1)

    def _block(k, carry):
        for bb in range(3):
            i = k * 3 + bb
            _wait_gather(i, bb)
            _fire_store(i, bb)
            _wait_store(i - 1, (bb + 2) % 3)
            _fire_gather(i + 2, (bb + 2) % 3)
        return carry

    lax.fori_loop(1, _NCHUNK // 3, _block, 0)

    _wait_gather(30, 0); _fire_store(30, 0); _wait_store(29, 2)
    _wait_gather(31, 1); _fire_store(31, 1); _wait_store(30, 0)
    _wait_store(31, 1)


@functools.partial(
    pl.kernel,
    out_type=(
        jax.ShapeDtypeStruct((B * NSAMPLE, C), jnp.float32),
        jax.ShapeDtypeStruct((3, B, NSAMPLE), jnp.float32),
    ),
    mesh=plsc.VectorSubcoreMesh(core_axis_name="c", subcore_axis_name="s"),
    compiler_params=pltpu.CompilerParams(needs_layout_passes=False),
    scratch_types=[
        pltpu.VMEM((_NCHUNK, _CHUNK), jnp.int32),
        pltpu.VMEM((3, _RPW), jnp.float32),
        pltpu.VMEM((3, N), jnp.float32),
        pltpu.VMEM((_CHUNK, C), jnp.float32),
        pltpu.VMEM((_CHUNK, C), jnp.float32),
        pltpu.VMEM((_CHUNK, C), jnp.float32),
        pltpu.SemaphoreType.DMA,
        pltpu.SemaphoreType.DMA,
        pltpu.SemaphoreType.DMA,
        pltpu.SemaphoreType.DMA,
        pltpu.SemaphoreType.DMA,
        pltpu.SemaphoreType.DMA,
    ],
)
def _sc_gather(feat_hbm, xyz_hbm, idxf_hbm, outf_hbm, outx_hbm,
               idxf_v, outx_v, xyz_v, buf0, buf1, buf2,
               gsem0, gsem1, gsem2, ssem0, ssem1, ssem2):
    _gather_body(feat_hbm, xyz_hbm, idxf_hbm,
                 outf_hbm, outx_hbm,
                 idxf_v, outx_v, xyz_v, buf0, buf1, buf2,
                 gsem0, gsem1, gsem2, ssem0, ssem1, ssem2)


_IDX_CACHE = None


def _sample_idx() -> np.ndarray:
    global _IDX_CACHE
    if _IDX_CACHE is None:
        try:
            dev_ctx = jax.default_device(jax.local_devices(backend="cpu")[0])
        except Exception:
            dev_ctx = contextlib.nullcontext()
        with jax.ensure_compile_time_eval(), dev_ctx:
            keys = jax.random.split(jax.random.key(42), B)
            perm = jax.vmap(lambda k: jax.random.permutation(k, N))(keys)
            _IDX_CACHE = np.asarray(perm[:, :NSAMPLE]).astype(np.int32)
    return _IDX_CACHE


def kernel(xyz, feature):
    idx = _sample_idx()

    idx_flat = idx + (np.arange(B, dtype=np.int32) * N)[:, None]
    idxf = jnp.asarray(idx_flat.reshape(_NW, _NCHUNK, _CHUNK))

    featf = feature.reshape(B * N, C)
    xyzt = jnp.transpose(xyz, (2, 0, 1))

    outf, outx = _sc_gather(featf, xyzt, idxf)

    feat_s = outf.reshape(B, NSAMPLE, C)
    xyz_s = jnp.transpose(outx, (1, 2, 0))
    return (xyz_s, feat_s)

# --- scband reference (transcript-rebuilt; emitter-appended) ---
"""Pipeline reference for scband-transition-down-23519240913428 (READ-ONLY COPY).

The authoritative reference and input builder live on the scoring server;
editing this copy changes nothing except your own understanding.
"""

import jax, jax.numpy as jnp
import numpy as np

B = 16
N = 16384
C = 256
NSAMPLE = 4096


def setup_inputs(seed: int = 0) -> dict:
    key = jax.random.key(seed)
    k1, k2 = jax.random.split(key)
    xyz = jax.random.normal(k1, (B, N, 3), dtype=jnp.float32)
    feature = jax.random.normal(k2, (B, N, C), dtype=jnp.float32)
    return {"xyz": xyz, "feature": feature}


def _sample_indexes(key, batch, n, nsample):
    # torch.multinomial with uniform weights, replacement=False ==
    # a uniform random permutation truncated to nsample, per batch row.
    keys = jax.random.split(key, batch)
    perm = jax.vmap(lambda k: jax.random.permutation(k, n))(keys)
    return perm[:, :nsample]


def reference(xyz, feature):
    batch, n, _ = xyz.shape
    idx = _sample_indexes(jax.random.key(42), batch, n, NSAMPLE)  # [B, nsample] int32
    # index_points: gather per-batch rows
    xyz_s = jnp.take_along_axis(xyz, idx[:, :, None], axis=1)      # [B, nsample, 3]
    feat_s = jnp.take_along_axis(feature, idx[:, :, None], axis=1)  # [B, nsample, C]
    # original returns (xyz_s, feat_s, None, None); we return the two arrays
    return (xyz_s, feat_s)

if __name__ == "__main__":
    import jax
    _d = setup_inputs()
    print(jax.jit(kernel)(*tuple(_d.values())))

</pallas_src>

<mosaic_0001>
#map = affine_map<(d0, d1) -> (0, 0)>
#map1 = affine_map<(d0, d1) -> (0, 0, 0)>
module attributes {stable_mosaic.version = 14 : i64} {
  func.func @_sc_gather(%arg0: i32, %arg1: i32, %arg2: memref<262144x256xf32, #tpu.memory_space<hbm>>, %arg3: memref<3x16x16384xf32, #tpu.memory_space<hbm>>, %arg4: memref<32x32x64xi32, #tpu.memory_space<hbm>>, %arg5: memref<65536x256xf32, #tpu.memory_space<hbm>>, %arg6: memref<3x16x4096xf32, #tpu.memory_space<hbm>>, %arg7: memref<32x64xi32, #tpu.memory_space<vmem>>, %arg8: memref<3x2048xf32, #tpu.memory_space<vmem>>, %arg9: memref<3x16384xf32, #tpu.memory_space<vmem>>, %arg10: memref<64x256xf32, #tpu.memory_space<vmem>>, %arg11: memref<64x256xf32, #tpu.memory_space<vmem>>, %arg12: memref<64x256xf32, #tpu.memory_space<vmem>>, %arg13: memref<!tpu.dma_semaphore, #tpu.memory_space<semaphore_mem>>, %arg14: memref<!tpu.dma_semaphore, #tpu.memory_space<semaphore_mem>>, %arg15: memref<!tpu.dma_semaphore, #tpu.memory_space<semaphore_mem>>, %arg16: memref<!tpu.dma_semaphore, #tpu.memory_space<semaphore_mem>>, %arg17: memref<!tpu.dma_semaphore, #tpu.memory_space<semaphore_mem>>, %arg18: memref<!tpu.dma_semaphore, #tpu.memory_space<semaphore_mem>>) attributes {dimension_semantics = [#tpu.dimension_semantics<core_parallel>, #tpu.dimension_semantics<subcore_parallel>], iteration_bounds = array<i64: 2, 16>, scalar_prefetch = 0 : i64, scratch_operands = 12 : i64, tpu.core_type = #tpu.core_type<sc_vector_subcore>, window_params = [{transform_indices = #map}, {transform_indices = #map1}, {transform_indices = #map1}, {transform_indices = #map}, {transform_indices = #map1}]} {
    %mul3A = arith.constant 2 : i32
    %mul3A_0 = arith.muli %arg1, %mul3A : i32
    %add3A = arith.addi %mul3A_0, %arg0 : i32
    %jit3A = arith.constant 2 : i32
    %div3A = arith.divsi %add3A, %jit3A : i32
    %sign3A = arith.constant 0 : i32
    %sign3A_1 = arith.cmpi sgt, %add3A, %sign3A : i32
    %sign3A_2 = arith.extui %sign3A_1 : i1 to i32
    %sign3A_3 = arith.constant 0 : i32
    %sign3A_4 = arith.cmpi slt, %add3A, %sign3A_3 : i32
    %sign3A_5 = arith.extui %sign3A_4 : i1 to i32
    %sign3A_6 = arith.subi %sign3A_2, %sign3A_5 : i32
    %sign3A_7 = arith.constant 0 : i32
    %sign3A_8 = arith.cmpi sgt, %jit3A, %sign3A_7 : i32
    %sign3A_9 = arith.extui %sign3A_8 : i1 to i32
    %sign3A_10 = arith.constant 0 : i32
    %sign3A_11 = arith.cmpi slt, %jit3A, %sign3A_10 : i32
    %sign3A_12 = arith.extui %sign3A_11 : i1 to i32
    %sign3A_13 = arith.subi %sign3A_9, %sign3A_12 : i32
    %ne3A = arith.cmpi ne, %sign3A_6, %sign3A_13 : i32
    %rem3A = arith.remsi %add3A, %jit3A : i32
    %ne3A_14 = arith.constant 0 : i32
    %ne3A_15 = arith.cmpi ne, %rem3A, %ne3A_14 : i32
    %and3A = arith.andi %ne3A, %ne3A_15 : i1
    %sub3A = arith.constant 1 : i32
    %sub3A_16 = arith.subi %div3A, %sub3A : i32
    %select_n3A = arith.select %and3A, %sub3A_16, %div3A : i32
    %jit3A_17 = arith.constant 2 : i32
    %eq3A = arith.constant 0 : i32
    %eq3A_18 = arith.cmpi eq, %jit3A_17, %eq3A : i32
    %jit3A_19 = arith.constant 1 : i32
    %select_n3A_20 = arith.select %eq3A_18, %jit3A_19, %jit3A_17 : i32
    %rem3A_21 = arith.remsi %add3A, %select_n3A_20 : i32
    %ne3A_22 = arith.constant 0 : i32
    %ne3A_23 = arith.cmpi ne, %rem3A_21, %ne3A_22 : i32
    %lt3A = arith.constant 0 : i32
    %lt3A_24 = arith.cmpi slt, %rem3A_21, %lt3A : i32
    %lt3A_25 = arith.constant 0 : i32
    %lt3A_26 = arith.cmpi slt, %select_n3A_20, %lt3A_25 : i32
    %ne3A_27 = arith.xori %lt3A_24, %lt3A_26 : i1
    %and3A_28 = arith.andi %ne3A_27, %ne3A_23 : i1
    %add3A_29 = arith.addi %rem3A_21, %select_n3A_20 : i32
    %select_n3A_30 = arith.select %and3A_28, %add3A_29, %rem3A_21 : i32
    "tpu.region"() ({
      %run_scoped3A_183 = tpu.sem_alloc : memref<!tpu.dma_semaphore, #tpu.memory_space<semaphore_mem>>
      %dma_start3A_184 = arith.constant 0 : i32
      %dma_start3A_185 = arith.constant 0 : i32
      %dma_start3A_186 = tpu.memref_slice %arg4[%add3A, %dma_start3A_184, %dma_start3A_185] : memref<32x32x64xi32, #tpu.memory_space<hbm>> -> memref<1x32x64xi32, #tpu.memory_space<hbm>>
      %dma_start3A_187 = tpu.memref_squeeze %dma_start3A_186 : memref<1x32x64xi32, #tpu.memory_space<hbm>> -> memref<32x64xi32, #tpu.memory_space<hbm>>
      %dma_start3A_188 = arith.constant 0 : i32
      %dma_start3A_189 = arith.constant 0 : i32
      %dma_start3A_190 = tpu.memref_slice %arg4[%add3A, %dma_start3A_188, %dma_start3A_189] : memref<32x32x64xi32, #tpu.memory_space<hbm>> -> memref<1x32x64xi32, #tpu.memory_space<hbm>>
      %dma_start3A_191 = tpu.memref_squeeze %dma_start3A_190 : memref<1x32x64xi32, #tpu.memory_space<hbm>> -> memref<32x64xi32, #tpu.memory_space<hbm>>
      tpu.enqueue_dma source(%dma_start3A_191 : memref<32x64xi32, #tpu.memory_space<hbm>>) target(%arg7 : memref<32x64xi32, #tpu.memory_space<vmem>>) target_semaphore(%run_scoped3A_183 : memref<!tpu.dma_semaphore, #tpu.memory_space<semaphore_mem>>)
      %dma_wait3A_192 = arith.constant 0 : i32
      %dma_wait3A_193 = arith.constant 0 : i32
      %dma_wait3A_194 = tpu.memref_slice %arg4[%add3A, %dma_wait3A_192, %dma_wait3A_193] : memref<32x32x64xi32, #tpu.memory_space<hbm>> -> memref<1x32x64xi32, #tpu.memory_space<hbm>>
      %dma_wait3A_195 = tpu.memref_squeeze %dma_wait3A_194 : memref<1x32x64xi32, #tpu.memory_space<hbm>> -> memref<32x64xi32, #tpu.memory_space<hbm>>
      %dma_wait3A_196 = arith.constant 0 : i32
      %dma_wait3A_197 = arith.constant 0 : i32
      %dma_wait3A_198 = tpu.memref_slice %arg4[%add3A, %dma_wait3A_196, %dma_wait3A_197] : memref<32x32x64xi32, #tpu.memory_space<hbm>> -> memref<1x32x64xi32, #tpu.memory_space<hbm>>
      %dma_wait3A_199 = tpu.memref_squeeze %dma_wait3A_198 : memref<1x32x64xi32, #tpu.memory_space<hbm>> -> memref<32x64xi32, #tpu.memory_space<hbm>>
      tpu.wait_dma2 semaphore(%run_scoped3A_183 : memref<!tpu.dma_semaphore, #tpu.memory_space<semaphore_mem>>) src(%dma_wait3A_199 : memref<32x64xi32, #tpu.memory_space<hbm>>) dst(%arg7 : memref<32x64xi32, #tpu.memory_space<vmem>>)
      tpu.yield
    }) : () -> ()
    %mul3A_31 = arith.constant 2048 : i32
    %mul3A_32 = arith.muli %add3A, %mul3A_31 : i32
    %dma_start3A = arith.constant 0 : i32
    %dma_start3A_33 = arith.constant 0 : i32
    %dma_start3A_34 = tpu.memref_slice %arg7[%dma_start3A, %dma_start3A_33] : memref<32x64xi32, #tpu.memory_space<vmem>> -> memref<1x64xi32, #tpu.memory_space<vmem>>
    %dma_start3A_35 = tpu.memref_squeeze %dma_start3A_34 : memref<1x64xi32, #tpu.memory_space<vmem>> -> memref<64xi32, #tpu.memory_space<vmem>>
    %dma_start3A_36 = arith.constant 0 : i32
    %dma_start3A_37 = arith.constant 0 : i32
    %dma_start3A_38 = tpu.memref_slice %arg2[%dma_start3A_36, %dma_start3A_37] : memref<262144x256xf32, #tpu.memory_space<hbm>> -> memref<262144x256xf32, #tpu.memory_space<hbm>>
    tpu.enqueue_indirect_dma source(%dma_start3A_38 : memref<262144x256xf32, #tpu.memory_space<hbm>>) target(%arg10 : memref<64x256xf32, #tpu.memory_space<vmem>>) offsets(%dma_start3A_35 : memref<64xi32, #tpu.memory_space<vmem>>) semaphore(%arg13 : memref<!tpu.dma_semaphore, #tpu.memory_space<semaphore_mem>>)
    %dma_start3A_39 = arith.constant 1 : i32
    %dma_start3A_40 = arith.constant 0 : i32
    %dma_start3A_41 = tpu.memref_slice %arg7[%dma_start3A_39, %dma_start3A_40] : memref<32x64xi32, #tpu.memory_space<vmem>> -> memref<1x64xi32, #tpu.memory_space<vmem>>
    %dma_start3A_42 = tpu.memref_squeeze %dma_start3A_41 : memref<1x64xi32, #tpu.memory_space<vmem>> -> memref<64xi32, #tpu.memory_space<vmem>>
    %dma_start3A_43 = arith.constant 0 : i32
    %dma_start3A_44 = arith.constant 0 : i32
    %dma_start3A_45 = tpu.memref_slice %arg2[%dma_start3A_43, %dma_start3A_44] : memref<262144x256xf32, #tpu.memory_space<hbm>> -> memref<262144x256xf32, #tpu.memory_space<hbm>>
    tpu.enqueue_indirect_dma source(%dma_start3A_45 : memref<262144x256xf32, #tpu.memory_space<hbm>>) target(%arg11 : memref<64x256xf32, #tpu.memory_space<vmem>>) offsets(%dma_start3A_42 : memref<64xi32, #tpu.memory_space<vmem>>) semaphore(%arg14 : memref<!tpu.dma_semaphore, #tpu.memory_space<semaphore_mem>>)
    %run_scoped3A = arith.constant 0 : i32
    "tpu.region"() ({
      %run_scoped3A_183 = tpu.sem_alloc : memref<!tpu.dma_semaphore, #tpu.memory_space<semaphore_mem>>
      %dma_start3A_184 = arith.constant 0 : i32
      %dma_start3A_185 = arith.constant 0 : i32
      %dma_start3A_186 = tpu.memref_slice %arg9[%dma_start3A_184, %dma_start3A_185] : memref<3x16384xf32, #tpu.memory_space<vmem>> -> memref<1x16384xf32, #tpu.memory_space<vmem>>
      %dma_start3A_187 = arith.constant 0 : i32
      %dma_start3A_188 = tpu.memref_slice %arg3[%run_scoped3A, %select_n3A, %dma_start3A_187] : memref<3x16x16384xf32, #tpu.memory_space<hbm>> -> memref<1x1x16384xf32, #tpu.memory_space<hbm>>
      %dma_start3A_189 = tpu.memref_squeeze %dma_start3A_188 : memref<1x1x16384xf32, #tpu.memory_space<hbm>> -> memref<1x16384xf32, #tpu.memory_space<hbm>>
      %dma_start3A_190 = arith.constant 0 : i32
      %dma_start3A_191 = arith.constant 0 : i32
      %dma_start3A_192 = tpu.memref_slice %arg9[%dma_start3A_190, %dma_start3A_191] : memref<3x16384xf32, #tpu.memory_space<vmem>> -> memref<1x16384xf32, #tpu.memory_space<vmem>>
      %dma_start3A_193 = arith.constant 0 : i32
      %dma_start3A_194 = tpu.memref_slice %arg3[%run_scoped3A, %select_n3A, %dma_start3A_193] : memref<3x16x16384xf32, #tpu.memory_space<hbm>> -> memref<1x1x16384xf32, #tpu.memory_space<hbm>>
      %dma_start3A_195 = tpu.memref_squeeze %dma_start3A_194 : memref<1x1x16384xf32, #tpu.memory_space<hbm>> -> memref<1x16384xf32, #tpu.memory_space<hbm>>
      tpu.enqueue_dma source(%dma_start3A_195 : memref<1x16384xf32, #tpu.memory_space<hbm>>) target(%dma_start3A_192 : memref<1x16384xf32, #tpu.memory_space<vmem>>) target_semaphore(%run_scoped3A_183 : memref<!tpu.dma_semaphore, #tpu.memory_space<semaphore_mem>>)
      %dma_wait3A_196 = arith.constant 0 : i32
      %dma_wait3A_197 = arith.constant 0 : i32
      %dma_wait3A_198 = tpu.memref_slice %arg9[%dma_wait3A_196, %dma_wait3A_197] : memref<3x16384xf32, #tpu.memory_space<vmem>> -> memref<1x16384xf32, #tpu.memory_space<vmem>>
      %dma_wait3A_199 = arith.constant 0 : i32
      %dma_wait3A_200 = tpu.memref_slice %arg3[%run_scoped3A, %select_n3A, %dma_wait3A_199] : memref<3x16x16384xf32, #tpu.memory_space<hbm>> -> memref<1x1x16384xf32, #tpu.memory_space<hbm>>
      %dma_wait3A_201 = tpu.memref_squeeze %dma_wait3A_200 : memref<1x1x16384xf32, #tpu.memory_space<hbm>> -> memref<1x16384xf32, #tpu.memory_space<hbm>>
      %dma_wait3A_202 = arith.constant 0 : i32
      %dma_wait3A_203 = arith.constant 0 : i32
      %dma_wait3A_204 = tpu.memref_slice %arg9[%dma_wait3A_202, %dma_wait3A_203] : memref<3x16384xf32, #tpu.memory_space<vmem>> -> memref<1x16384xf32, #tpu.memory_space<vmem>>
      %dma_wait3A_205 = arith.constant 0 : i32
      %dma_wait3A_206 = tpu.memref_slice %arg3[%run_scoped3A, %select_n3A, %dma_wait3A_205] : memref<3x16x16384xf32, #tpu.memory_space<hbm>> -> memref<1x1x16384xf32, #tpu.memory_space<hbm>>
      %dma_wait3A_207 = tpu.memref_squeeze %dma_wait3A_206 : memref<1x1x16384xf32, #tpu.memory_space<hbm>> -> memref<1x16384xf32, #tpu.memory_space<hbm>>
      tpu.wait_dma2 semaphore(%run_scoped3A_183 : memref<!tpu.dma_semaphore, #tpu.memory_space<semaphore_mem>>) src(%dma_wait3A_207 : memref<1x16384xf32, #tpu.memory_space<hbm>>) dst(%dma_wait3A_204 : memref<1x16384xf32, #tpu.memory_space<vmem>>)
      tpu.yield
    }) : () -> ()
    %run_scoped3A_46 = arith.constant 1 : i32
    "tpu.region"() ({
      %run_scoped3A_183 = tpu.sem_alloc : memref<!tpu.dma_semaphore, #tpu.memory_space<semaphore_mem>>
      %dma_start3A_184 = arith.constant 1 : i32
      %dma_start3A_185 = arith.constant 0 : i32
      %dma_start3A_186 = tpu.memref_slice %arg9[%dma_start3A_184, %dma_start3A_185] : memref<3x16384xf32, #tpu.memory_space<vmem>> -> memref<1x16384xf32, #tpu.memory_space<vmem>>
      %dma_start3A_187 = arith.constant 0 : i32
      %dma_start3A_188 = tpu.memref_slice %arg3[%run_scoped3A_46, %select_n3A, %dma_start3A_187] : memref<3x16x16384xf32, #tpu.memory_space<hbm>> -> memref<1x1x16384xf32, #tpu.memory_space<hbm>>
      %dma_start3A_189 = tpu.memref_squeeze %dma_start3A_188 : memref<1x1x16384xf32, #tpu.memory_space<hbm>> -> memref<1x16384xf32, #tpu.memory_space<hbm>>
      %dma_start3A_190 = arith.constant 1 : i32
      %dma_start3A_191 = arith.constant 0 : i32
      %dma_start3A_192 = tpu.memref_slice %arg9[%dma_start3A_190, %dma_start3A_191] : memref<3x16384xf32, #tpu.memory_space<vmem>> -> memref<1x16384xf32, #tpu.memory_space<vmem>>
      %dma_start3A_193 = arith.constant 0 : i32
      %dma_start3A_194 = tpu.memref_slice %arg3[%run_scoped3A_46, %select_n3A, %dma_start3A_193] : memref<3x16x16384xf32, #tpu.memory_space<hbm>> -> memref<1x1x16384xf32, #tpu.memory_space<hbm>>
      %dma_start3A_195 = tpu.memref_squeeze %dma_start3A_194 : memref<1x1x16384xf32, #tpu.memory_space<hbm>> -> memref<1x16384xf32, #tpu.memory_space<hbm>>
      tpu.enqueue_dma source(%dma_start3A_195 : memref<1x16384xf32, #tpu.memory_space<hbm>>) target(%dma_start3A_192 : memref<1x16384xf32, #tpu.memory_space<vmem>>) target_semaphore(%run_scoped3A_183 : memref<!tpu.dma_semaphore, #tpu.memory_space<semaphore_mem>>)
      %dma_wait3A_196 = arith.constant 1 : i32
      %dma_wait3A_197 = arith.constant 0 : i32
      %dma_wait3A_198 = tpu.memref_slice %arg9[%dma_wait3A_196, %dma_wait3A_197] : memref<3x16384xf32, #tpu.memory_space<vmem>> -> memref<1x16384xf32, #tpu.memory_space<vmem>>
      %dma_wait3A_199 = arith.constant 0 : i32
      %dma_wait3A_200 = tpu.memref_slice %arg3[%run_scoped3A_46, %select_n3A, %dma_wait3A_199] : memref<3x16x16384xf32, #tpu.memory_space<hbm>> -> memref<1x1x16384xf32, #tpu.memory_space<hbm>>
      %dma_wait3A_201 = tpu.memref_squeeze %dma_wait3A_200 : memref<1x1x16384xf32, #tpu.memory_space<hbm>> -> memref<1x16384xf32, #tpu.memory_space<hbm>>
      %dma_wait3A_202 = arith.constant 1 : i32
      %dma_wait3A_203 = arith.constant 0 : i32
      %dma_wait3A_204 = tpu.memref_slice %arg9[%dma_wait3A_202, %dma_wait3A_203] : memref<3x16384xf32, #tpu.memory_space<vmem>> -> memref<1x16384xf32, #tpu.memory_space<vmem>>
      %dma_wait3A_205 = arith.constant 0 : i32
      %dma_wait3A_206 = tpu.memref_slice %arg3[%run_scoped3A_46, %select_n3A, %dma_wait3A_205] : memref<3x16x16384xf32, #tpu.memory_space<hbm>> -> memref<1x1x16384xf32, #tpu.memory_space<hbm>>
      %dma_wait3A_207 = tpu.memref_squeeze %dma_wait3A_206 : memref<1x1x16384xf32, #tpu.memory_space<hbm>> -> memref<1x16384xf32, #tpu.memory_space<hbm>>
      tpu.wait_dma2 semaphore(%run_scoped3A_183 : memref<!tpu.dma_semaphore, #tpu.memory_space<semaphore_mem>>) src(%dma_wait3A_207 : memref<1x16384xf32, #tpu.memory_space<hbm>>) dst(%dma_wait3A_204 : memref<1x16384xf32, #tpu.memory_space<vmem>>)
      tpu.yield
    }) : () -> ()
    %run_scoped3A_47 = arith.constant 2 : i32
    "tpu.region"() ({
      %run_scoped3A_183 = tpu.sem_alloc : memref<!tpu.dma_semaphore, #tpu.memory_space<semaphore_mem>>
      %dma_start3A_184 = arith.constant 2 : i32
      %dma_start3A_185 = arith.constant 0 : i32
      %dma_start3A_186 = tpu.memref_slice %arg9[%dma_start3A_184, %dma_start3A_185] : memref<3x16384xf32, #tpu.memory_space<vmem>> -> memref<1x16384xf32, #tpu.memory_space<vmem>>
      %dma_start3A_187 = arith.constant 0 : i32
      %dma_start3A_188 = tpu.memref_slice %arg3[%run_scoped3A_47, %select_n3A, %dma_start3A_187] : memref<3x16x16384xf32, #tpu.memory_space<hbm>> -> memref<1x1x16384xf32, #tpu.memory_space<hbm>>
      %dma_start3A_189 = tpu.memref_squeeze %dma_start3A_188 : memref<1x1x16384xf32, #tpu.memory_space<hbm>> -> memref<1x16384xf32, #tpu.memory_space<hbm>>
      %dma_start3A_190 = arith.constant 2 : i32
      %dma_start3A_191 = arith.constant 0 : i32
      %dma_start3A_192 = tpu.memref_slice %arg9[%dma_start3A_190, %dma_start3A_191] : memref<3x16384xf32, #tpu.memory_space<vmem>> -> memref<1x16384xf32, #tpu.memory_space<vmem>>
      %dma_start3A_193 = arith.constant 0 : i32
      %dma_start3A_194 = tpu.memref_slice %arg3[%run_scoped3A_47, %select_n3A, %dma_start3A_193] : memref<3x16x16384xf32, #tpu.memory_space<hbm>> -> memref<1x1x16384xf32, #tpu.memory_space<hbm>>
      %dma_start3A_195 = tpu.memref_squeeze %dma_start3A_194 : memref<1x1x16384xf32, #tpu.memory_space<hbm>> -> memref<1x16384xf32, #tpu.memory_space<hbm>>
      tpu.enqueue_dma source(%dma_start3A_195 : memref<1x16384xf32, #tpu.memory_space<hbm>>) target(%dma_start3A_192 : memref<1x16384xf32, #tpu.memory_space<vmem>>) target_semaphore(%run_scoped3A_183 : memref<!tpu.dma_semaphore, #tpu.memory_space<semaphore_mem>>)
      %dma_wait3A_196 = arith.constant 2 : i32
      %dma_wait3A_197 = arith.constant 0 : i32
      %dma_wait3A_198 = tpu.memref_slice %arg9[%dma_wait3A_196, %dma_wait3A_197] : memref<3x16384xf32, #tpu.memory_space<vmem>> -> memref<1x16384xf32, #tpu.memory_space<vmem>>
      %dma_wait3A_199 = arith.constant 0 : i32
      %dma_wait3A_200 = tpu.memref_slice %arg3[%run_scoped3A_47, %select_n3A, %dma_wait3A_199] : memref<3x16x16384xf32, #tpu.memory_space<hbm>> -> memref<1x1x16384xf32, #tpu.memory_space<hbm>>
      %dma_wait3A_201 = tpu.memref_squeeze %dma_wait3A_200 : memref<1x1x16384xf32, #tpu.memory_space<hbm>> -> memref<1x16384xf32, #tpu.memory_space<hbm>>
      %dma_wait3A_202 = arith.constant 2 : i32
      %dma_wait3A_203 = arith.constant 0 : i32
      %dma_wait3A_204 = tpu.memref_slice %arg9[%dma_wait3A_202, %dma_wait3A_203] : memref<3x16384xf32, #tpu.memory_space<vmem>> -> memref<1x16384xf32, #tpu.memory_space<vmem>>
      %dma_wait3A_205 = arith.constant 0 : i32
      %dma_wait3A_206 = tpu.memref_slice %arg3[%run_scoped3A_47, %select_n3A, %dma_wait3A_205] : memref<3x16x16384xf32, #tpu.memory_space<hbm>> -> memref<1x1x16384xf32, #tpu.memory_space<hbm>>
      %dma_wait3A_207 = tpu.memref_squeeze %dma_wait3A_206 : memref<1x1x16384xf32, #tpu.memory_space<hbm>> -> memref<1x16384xf32, #tpu.memory_space<hbm>>
      tpu.wait_dma2 semaphore(%run_scoped3A_183 : memref<!tpu.dma_semaphore, #tpu.memory_space<semaphore_mem>>) src(%dma_wait3A_207 : memref<1x16384xf32, #tpu.memory_space<hbm>>) dst(%dma_wait3A_204 : memref<1x16384xf32, #tpu.memory_space<vmem>>)
      tpu.yield
    }) : () -> ()
    %scan3A = arith.constant 0 : i32
    %scan3A_48 = arith.constant 0 : i32
    %scan3A_49 = arith.constant 128 : i32
    %scan3A_50 = arith.addi %scan3A_48, %scan3A_49 : i32
    %scan3A_51 = arith.constant 1 : i32
    scf.for %scan3A_183 = %scan3A_48 to %scan3A_50 step %scan3A_51  : i32 {
      %shift_right_arithmetic3A = arith.constant 2 : i32
      %shift_right_arithmetic3A_184 = arith.shrsi %scan3A_183, %shift_right_arithmetic3A : i32
      %and3A_185 = arith.constant 3 : i32
      %and3A_186 = arith.andi %scan3A_183, %and3A_185 : i32
      %mul3A_187 = arith.constant 16 : i32
      %mul3A_188 = arith.muli %and3A_186, %mul3A_187 : i32
      %get3A = arith.index_cast %shift_right_arithmetic3A_184 : i32 to index
      %get3A_189 = arith.index_cast %mul3A_188 : i32 to index
      %get3A_190 = tpu.vector_load %arg7[%get3A, %get3A_189] {strides = array<i32>} : memref<32x64xi32, #tpu.memory_space<vmem>>, vector<16xi32>,
      %mul3A_191 = arith.constant 16384 : i32
      %mul3A_192 = arith.muli %select_n3A, %mul3A_191 : i32
      %sub3A_193 = vector.broadcast %mul3A_192 : i32 to vector<16xi32>
      %sub3A_194 = arith.subi %get3A_190, %sub3A_193 : vector<16xi32>
      %broadcast_in_dim3A = arith.constant 0 : i32
      %broadcast_in_dim3A_195 = vector.broadcast %broadcast_in_dim3A : i32 to vector<16xi32>
      %gather3A = tpu.vector_load_idx %arg9[%broadcast_in_dim3A_195, %sub3A_194] : memref<3x16384xf32, #tpu.memory_space<vmem>>[vector<16xi32>, vector<16xi32>], vector<16xf32>,
      %mul3A_196 = arith.constant 16 : i32
      %mul3A_197 = arith.muli %scan3A_183, %mul3A_196 : i32
      %swap3A = arith.constant 0 : i32
      %swap3A_198 = arith.index_cast %swap3A : i32 to index
      %swap3A_199 = arith.index_cast %mul3A_197 : i32 to index
      %swap3A_200 = tpu.vector_load %arg8[%swap3A_198, %swap3A_199] {strides = array<i32>} : memref<3x2048xf32, #tpu.memory_space<vmem>>, vector<16xf32>,
      tpu.vector_store %arg8[%swap3A_198, %swap3A_199], %gather3A {strides = array<i32>} : memref<3x2048xf32, #tpu.memory_space<vmem>>, vector<16xf32>,
      %broadcast_in_dim3A_201 = arith.constant 1 : i32
      %broadcast_in_dim3A_202 = vector.broadcast %broadcast_in_dim3A_201 : i32 to vector<16xi32>
      %gather3A_203 = tpu.vector_load_idx %arg9[%broadcast_in_dim3A_202, %sub3A_194] : memref<3x16384xf32, #tpu.memory_space<vmem>>[vector<16xi32>, vector<16xi32>], vector<16xf32>,
      %mul3A_204 = arith.constant 16 : i32
      %mul3A_205 = arith.muli %scan3A_183, %mul3A_204 : i32
      %swap3A_206 = arith.constant 1 : i32
      %swap3A_207 = arith.index_cast %swap3A_206 : i32 to index
      %swap3A_208 = arith.index_cast %mul3A_205 : i32 to index
      %swap3A_209 = tpu.vector_load %arg8[%swap3A_207, %swap3A_208] {strides = array<i32>} : memref<3x2048xf32, #tpu.memory_space<vmem>>, vector<16xf32>,
      tpu.vector_store %arg8[%swap3A_207, %swap3A_208], %gather3A_203 {strides = array<i32>} : memref<3x2048xf32, #tpu.memory_space<vmem>>, vector<16xf32>,
      %broadcast_in_dim3A_210 = arith.constant 2 : i32
      %broadcast_in_dim3A_211 = vector.broadcast %broadcast_in_dim3A_210 : i32 to vector<16xi32>
      %gather3A_212 = tpu.vector_load_idx %arg9[%broadcast_in_dim3A_211, %sub3A_194] : memref<3x16384xf32, #tpu.memory_space<vmem>>[vector<16xi32>, vector<16xi32>], vector<16xf32>,
      %mul3A_213 = arith.constant 16 : i32
      %mul3A_214 = arith.muli %scan3A_183, %mul3A_213 : i32
      %swap3A_215 = arith.constant 2 : i32
      %swap3A_216 = arith.index_cast %swap3A_215 : i32 to index
      %swap3A_217 = arith.index_cast %mul3A_214 : i32 to index
      %swap3A_218 = tpu.vector_load %arg8[%swap3A_216, %swap3A_217] {strides = array<i32>} : memref<3x2048xf32, #tpu.memory_space<vmem>>, vector<16xf32>,
      tpu.vector_store %arg8[%swap3A_216, %swap3A_217], %gather3A_212 {strides = array<i32>} : memref<3x2048xf32, #tpu.memory_space<vmem>>, vector<16xf32>,
    }
    %scan3A_52 = arith.constant 128 : i32
    %mul3A_53 = arith.constant 2048 : i32
    %mul3A_54 = arith.muli %select_n3A_30, %mul3A_53 : i32
    %run_scoped3A_55 = arith.constant 0 : i32
    "tpu.region"() ({
      %run_scoped3A_183 = tpu.sem_alloc : memref<!tpu.dma_semaphore, #tpu.memory_space<semaphore_mem>>
      %dma_start3A_184 = arith.constant 0 : i32
      %dma_start3A_185 = arith.constant 0 : i32
      %dma_start3A_186 = tpu.memref_slice %arg8[%dma_start3A_184, %dma_start3A_185] : memref<3x2048xf32, #tpu.memory_space<vmem>> -> memref<1x2048xf32, #tpu.memory_space<vmem>>
      %dma_start3A_187 = tpu.memref_slice %arg6[%run_scoped3A_55, %select_n3A, %mul3A_54] : memref<3x16x4096xf32, #tpu.memory_space<hbm>> -> memref<1x1x2048xf32, #tpu.memory_space<hbm>>
      %dma_start3A_188 = tpu.memref_squeeze %dma_start3A_187 : memref<1x1x2048xf32, #tpu.memory_space<hbm>> -> memref<1x2048xf32, #tpu.memory_space<hbm>>
      %dma_start3A_189 = tpu.memref_slice %arg6[%run_scoped3A_55, %select_n3A, %mul3A_54] : memref<3x16x4096xf32, #tpu.memory_space<hbm>> -> memref<1x1x2048xf32, #tpu.memory_space<hbm>>
      %dma_start3A_190 = tpu.memref_squeeze %dma_start3A_189 : memref<1x1x2048xf32, #tpu.memory_space<hbm>> -> memref<1x2048xf32, #tpu.memory_space<hbm>>
      %dma_start3A_191 = arith.constant 0 : i32
      %dma_start3A_192 = arith.constant 0 : i32
      %dma_start3A_193 = tpu.memref_slice %arg8[%dma_start3A_191, %dma_start3A_192] : memref<3x2048xf32, #tpu.memory_space<vmem>> -> memref<1x2048xf32, #tpu.memory_space<vmem>>
      tpu.enqueue_dma source(%dma_start3A_193 : memref<1x2048xf32, #tpu.memory_space<vmem>>) target(%dma_start3A_190 : memref<1x2048xf32, #tpu.memory_space<hbm>>) target_semaphore(%run_scoped3A_183 : memref<!tpu.dma_semaphore, #tpu.memory_space<semaphore_mem>>)
      %dma_wait3A_194 = arith.constant 0 : i32
      %dma_wait3A_195 = arith.constant 0 : i32
      %dma_wait3A_196 = tpu.memref_slice %arg8[%dma_wait3A_194, %dma_wait3A_195] : memref<3x2048xf32, #tpu.memory_space<vmem>> -> memref<1x2048xf32, #tpu.memory_space<vmem>>
      %dma_wait3A_197 = tpu.memref_slice %arg6[%run_scoped3A_55, %select_n3A, %mul3A_54] : memref<3x16x4096xf32, #tpu.memory_space<hbm>> -> memref<1x1x2048xf32, #tpu.memory_space<hbm>>
      %dma_wait3A_198 = tpu.memref_squeeze %dma_wait3A_197 : memref<1x1x2048xf32, #tpu.memory_space<hbm>> -> memref<1x2048xf32, #tpu.memory_space<hbm>>
      %dma_wait3A_199 = tpu.memref_slice %arg6[%run_scoped3A_55, %select_n3A, %mul3A_54] : memref<3x16x4096xf32, #tpu.memory_space<hbm>> -> memref<1x1x2048xf32, #tpu.memory_space<hbm>>
      %dma_wait3A_200 = tpu.memref_squeeze %dma_wait3A_199 : memref<1x1x2048xf32, #tpu.memory_space<hbm>> -> memref<1x2048xf32, #tpu.memory_space<hbm>>
      %dma_wait3A_201 = arith.constant 0 : i32
      %dma_wait3A_202 = arith.constant 0 : i32
      %dma_wait3A_203 = tpu.memref_slice %arg8[%dma_wait3A_201, %dma_wait3A_202] : memref<3x2048xf32, #tpu.memory_space<vmem>> -> memref<1x2048xf32, #tpu.memory_space<vmem>>
      tpu.wait_dma2 semaphore(%run_scoped3A_183 : memref<!tpu.dma_semaphore, #tpu.memory_space<semaphore_mem>>) src(%dma_wait3A_203 : memref<1x2048xf32, #tpu.memory_space<vmem>>) dst(%dma_wait3A_200 : memref<1x2048xf32, #tpu.memory_space<hbm>>)
      tpu.yield
    }) : () -> ()
    %mul3A_56 = arith.constant 2048 : i32
    %mul3A_57 = arith.muli %select_n3A_30, %mul3A_56 : i32
    %run_scoped3A_58 = arith.constant 1 : i32
    "tpu.region"() ({
      %run_scoped3A_183 = tpu.sem_alloc : memref<!tpu.dma_semaphore, #tpu.memory_space<semaphore_mem>>
      %dma_start3A_184 = arith.constant 1 : i32
      %dma_start3A_185 = arith.constant 0 : i32
      %dma_start3A_186 = tpu.memref_slice %arg8[%dma_start3A_184, %dma_start3A_185] : memref<3x2048xf32, #tpu.memory_space<vmem>> -> memref<1x2048xf32, #tpu.memory_space<vmem>>
      %dma_start3A_187 = tpu.memref_slice %arg6[%run_scoped3A_58, %select_n3A, %mul3A_57] : memref<3x16x4096xf32, #tpu.memory_space<hbm>> -> memref<1x1x2048xf32, #tpu.memory_space<hbm>>
      %dma_start3A_188 = tpu.memref_squeeze %dma_start3A_187 : memref<1x1x2048xf32, #tpu.memory_space<hbm>> -> memref<1x2048xf32, #tpu.memory_space<hbm>>
      %dma_start3A_189 = tpu.memref_slice %arg6[%run_scoped3A_58, %select_n3A, %mul3A_57] : memref<3x16x4096xf32, #tpu.memory_space<hbm>> -> memref<1x1x2048xf32, #tpu.memory_space<hbm>>
      %dma_start3A_190 = tpu.memref_squeeze %dma_start3A_189 : memref<1x1x2048xf32, #tpu.memory_space<hbm>> -> memref<1x2048xf32, #tpu.memory_space<hbm>>
      %dma_start3A_191 = arith.constant 1 : i32
      %dma_start3A_192 = arith.constant 0 : i32
      %dma_start3A_193 = tpu.memref_slice %arg8[%dma_start3A_191, %dma_start3A_192] : memref<3x2048xf32, #tpu.memory_space<vmem>> -> memref<1x2048xf32, #tpu.memory_space<vmem>>
      tpu.enqueue_dma source(%dma_start3A_193 : memref<1x2048xf32, #tpu.memory_space<vmem>>) target(%dma_start3A_190 : memref<1x2048xf32, #tpu.memory_space<hbm>>) target_semaphore(%run_scoped3A_183 : memref<!tpu.dma_semaphore, #tpu.memory_space<semaphore_mem>>)
      %dma_wait3A_194 = arith.constant 1 : i32
      %dma_wait3A_195 = arith.constant 0 : i32
      %dma_wait3A_196 = tpu.memref_slice %arg8[%dma_wait3A_194, %dma_wait3A_195] : memref<3x2048xf32, #tpu.memory_space<vmem>> -> memref<1x2048xf32, #tpu.memory_space<vmem>>
      %dma_wait3A_197 = tpu.memref_slice %arg6[%run_scoped3A_58, %select_n3A, %mul3A_57] : memref<3x16x4096xf32, #tpu.memory_space<hbm>> -> memref<1x1x2048xf32, #tpu.memory_space<hbm>>
      %dma_wait3A_198 = tpu.memref_squeeze %dma_wait3A_197 : memref<1x1x2048xf32, #tpu.memory_space<hbm>> -> memref<1x2048xf32, #tpu.memory_space<hbm>>
      %dma_wait3A_199 = tpu.memref_slice %arg6[%run_scoped3A_58, %select_n3A, %mul3A_57] : memref<3x16x4096xf32, #tpu.memory_space<hbm>> -> memref<1x1x2048xf32, #tpu.memory_space<hbm>>
      %dma_wait3A_200 = tpu.memref_squeeze %dma_wait3A_199 : memref<1x1x2048xf32, #tpu.memory_space<hbm>> -> memref<1x2048xf32, #tpu.memory_space<hbm>>
      %dma_wait3A_201 = arith.constant 1 : i32
      %dma_wait3A_202 = arith.constant 0 : i32
      %dma_wait3A_203 = tpu.memref_slice %arg8[%dma_wait3A_201, %dma_wait3A_202] : memref<3x2048xf32, #tpu.memory_space<vmem>> -> memref<1x2048xf32, #tpu.memory_space<vmem>>
      tpu.wait_dma2 semaphore(%run_scoped3A_183 : memref<!tpu.dma_semaphore, #tpu.memory_space<semaphore_mem>>) src(%dma_wait3A_203 : memref<1x2048xf32, #tpu.memory_space<vmem>>) dst(%dma_wait3A_200 : memref<1x2048xf32, #tpu.memory_space<hbm>>)
      tpu.yield
    }) : () -> ()
    %mul3A_59 = arith.constant 2048 : i32
    %mul3A_60 = arith.muli %select_n3A_30, %mul3A_59 : i32
    %run_scoped3A_61 = arith.constant 2 : i32
    "tpu.region"() ({
      %run_scoped3A_183 = tpu.sem_alloc : memref<!tpu.dma_semaphore, #tpu.memory_space<semaphore_mem>>
      %dma_start3A_184 = arith.constant 2 : i32
      %dma_start3A_185 = arith.constant 0 : i32
      %dma_start3A_186 = tpu.memref_slice %arg8[%dma_start3A_184, %dma_start3A_185] : memref<3x2048xf32, #tpu.memory_space<vmem>> -> memref<1x2048xf32, #tpu.memory_space<vmem>>
      %dma_start3A_187 = tpu.memref_slice %arg6[%run_scoped3A_61, %select_n3A, %mul3A_60] : memref<3x16x4096xf32, #tpu.memory_space<hbm>> -> memref<1x1x2048xf32, #tpu.memory_space<hbm>>
      %dma_start3A_188 = tpu.memref_squeeze %dma_start3A_187 : memref<1x1x2048xf32, #tpu.memory_space<hbm>> -> memref<1x2048xf32, #tpu.memory_space<hbm>>
      %dma_start3A_189 = tpu.memref_slice %arg6[%run_scoped3A_61, %select_n3A, %mul3A_60] : memref<3x16x4096xf32, #tpu.memory_space<hbm>> -> memref<1x1x2048xf32, #tpu.memory_space<hbm>>
      %dma_start3A_190 = tpu.memref_squeeze %dma_start3A_189 : memref<1x1x2048xf32, #tpu.memory_space<hbm>> -> memref<1x2048xf32, #tpu.memory_space<hbm>>
      %dma_start3A_191 = arith.constant 2 : i32
      %dma_start3A_192 = arith.constant 0 : i32
      %dma_start3A_193 = tpu.memref_slice %arg8[%dma_start3A_191, %dma_start3A_192] : memref<3x2048xf32, #tpu.memory_space<vmem>> -> memref<1x2048xf32, #tpu.memory_space<vmem>>
      tpu.enqueue_dma source(%dma_start3A_193 : memref<1x2048xf32, #tpu.memory_space<vmem>>) target(%dma_start3A_190 : memref<1x2048xf32, #tpu.memory_space<hbm>>) target_semaphore(%run_scoped3A_183 : memref<!tpu.dma_semaphore, #tpu.memory_space<semaphore_mem>>)
      %dma_wait3A_194 = arith.constant 2 : i32
      %dma_wait3A_195 = arith.constant 0 : i32
      %dma_wait3A_196 = tpu.memref_slice %arg8[%dma_wait3A_194, %dma_wait3A_195] : memref<3x2048xf32, #tpu.memory_space<vmem>> -> memref<1x2048xf32, #tpu.memory_space<vmem>>
      %dma_wait3A_197 = tpu.memref_slice %arg6[%run_scoped3A_61, %select_n3A, %mul3A_60] : memref<3x16x4096xf32, #tpu.memory_space<hbm>> -> memref<1x1x2048xf32, #tpu.memory_space<hbm>>
      %dma_wait3A_198 = tpu.memref_squeeze %dma_wait3A_197 : memref<1x1x2048xf32, #tpu.memory_space<hbm>> -> memref<1x2048xf32, #tpu.memory_space<hbm>>
      %dma_wait3A_199 = tpu.memref_slice %arg6[%run_scoped3A_61, %select_n3A, %mul3A_60] : memref<3x16x4096xf32, #tpu.memory_space<hbm>> -> memref<1x1x2048xf32, #tpu.memory_space<hbm>>
      %dma_wait3A_200 = tpu.memref_squeeze %dma_wait3A_199 : memref<1x1x2048xf32, #tpu.memory_space<hbm>> -> memref<1x2048xf32, #tpu.memory_space<hbm>>
      %dma_wait3A_201 = arith.constant 2 : i32
      %dma_wait3A_202 = arith.constant 0 : i32
      %dma_wait3A_203 = tpu.memref_slice %arg8[%dma_wait3A_201, %dma_wait3A_202] : memref<3x2048xf32, #tpu.memory_space<vmem>> -> memref<1x2048xf32, #tpu.memory_space<vmem>>
      tpu.wait_dma2 semaphore(%run_scoped3A_183 : memref<!tpu.dma_semaphore, #tpu.memory_space<semaphore_mem>>) src(%dma_wait3A_203 : memref<1x2048xf32, #tpu.memory_space<vmem>>) dst(%dma_wait3A_200 : memref<1x2048xf32, #tpu.memory_space<hbm>>)
      tpu.yield
    }) : () -> ()
    %dma_wait3A = arith.constant 0 : i32
    %dma_wait3A_62 = arith.constant 0 : i32
    %dma_wait3A_63 = tpu.memref_slice %arg7[%dma_wait3A, %dma_wait3A_62] : memref<32x64xi32, #tpu.memory_space<vmem>> -> memref<1x64xi32, #tpu.memory_space<vmem>>
    %dma_wait3A_64 = tpu.memref_squeeze %dma_wait3A_63 : memref<1x64xi32, #tpu.memory_space<vmem>> -> memref<64xi32, #tpu.memory_space<vmem>>
    %dma_wait3A_65 = arith.constant 0 : i32
    %dma_wait3A_66 = arith.constant 0 : i32
    %dma_wait3A_67 = tpu.memref_slice %arg2[%dma_wait3A_65, %dma_wait3A_66] : memref<262144x256xf32, #tpu.memory_space<hbm>> -> memref<262144x256xf32, #tpu.memory_space<hbm>>
    tpu.wait_indirect_dma semaphore(%arg13 : memref<!tpu.dma_semaphore, #tpu.memory_space<semaphore_mem>>) src(%dma_wait3A_67 : memref<262144x256xf32, #tpu.memory_space<hbm>>) dst(%arg10 : memref<64x256xf32, #tpu.memory_space<vmem>>)
    %add3A_68 = arith.constant 0 : i32
    %add3A_69 = arith.addi %mul3A_32, %add3A_68 : i32
    %dma_start3A_70 = arith.constant 0 : i32
    %dma_start3A_71 = tpu.memref_slice %arg5[%add3A_69, %dma_start3A_70] : memref<65536x256xf32, #tpu.memory_space<hbm>> -> memref<64x256xf32, #tpu.memory_space<hbm>>
    %dma_start3A_72 = arith.constant 0 : i32
    %dma_start3A_73 = tpu.memref_slice %arg5[%add3A_69, %dma_start3A_72] : memref<65536x256xf32, #tpu.memory_space<hbm>> -> memref<64x256xf32, #tpu.memory_space<hbm>>
    tpu.enqueue_dma source(%arg10 : memref<64x256xf32, #tpu.memory_space<vmem>>) target(%dma_start3A_73 : memref<64x256xf32, #tpu.memory_space<hbm>>) target_semaphore(%arg16 : memref<!tpu.dma_semaphore, #tpu.memory_space<semaphore_mem>>)
    %dma_start3A_74 = arith.constant 2 : i32
    %dma_start3A_75 = arith.constant 0 : i32
    %dma_start3A_76 = tpu.memref_slice %arg7[%dma_start3A_74, %dma_start3A_75] : memref<32x64xi32, #tpu.memory_space<vmem>> -> memref<1x64xi32, #tpu.memory_space<vmem>>
    %dma_start3A_77 = tpu.memref_squeeze %dma_start3A_76 : memref<1x64xi32, #tpu.memory_space<vmem>> -> memref<64xi32, #tpu.memory_space<vmem>>
    %dma_start3A_78 = arith.constant 0 : i32
    %dma_start3A_79 = arith.constant 0 : i32
    %dma_start3A_80 = tpu.memref_slice %arg2[%dma_start3A_78, %dma_start3A_79] : memref<262144x256xf32, #tpu.memory_space<hbm>> -> memref<262144x256xf32, #tpu.memory_space<hbm>>
    tpu.enqueue_indirect_dma source(%dma_start3A_80 : memref<262144x256xf32, #tpu.memory_space<hbm>>) target(%arg12 : memref<64x256xf32, #tpu.memory_space<vmem>>) offsets(%dma_start3A_77 : memref<64xi32, #tpu.memory_space<vmem>>) semaphore(%arg15 : memref<!tpu.dma_semaphore, #tpu.memory_space<semaphore_mem>>)
    %dma_wait3A_81 = arith.constant 1 : i32
    %dma_wait3A_82 = arith.constant 0 : i32
    %dma_wait3A_83 = tpu.memref_slice %arg7[%dma_wait3A_81, %dma_wait3A_82] : memref<32x64xi32, #tpu.memory_space<vmem>> -> memref<1x64xi32, #tpu.memory_space<vmem>>
    %dma_wait3A_84 = tpu.memref_squeeze %dma_wait3A_83 : memref<1x64xi32, #tpu.memory_space<vmem>> -> memref<64xi32, #tpu.memory_space<vmem>>
    %dma_wait3A_85 = arith.constant 0 : i32
    %dma_wait3A_86 = arith.constant 0 : i32
    %dma_wait3A_87 = tpu.memref_slice %arg2[%dma_wait3A_85, %dma_wait3A_86] : memref<262144x256xf32, #tpu.memory_space<hbm>> -> memref<262144x256xf32, #tpu.memory_space<hbm>>
    tpu.wait_indirect_dma semaphore(%arg14 : memref<!tpu.dma_semaphore, #tpu.memory_space<semaphore_mem>>) src(%dma_wait3A_87 : memref<262144x256xf32, #tpu.memory_space<hbm>>) dst(%arg11 : memref<64x256xf32, #tpu.memory_space<vmem>>)
    %add3A_88 = arith.constant 64 : i32
    %add3A_89 = arith.addi %mul3A_32, %add3A_88 : i32
    %dma_start3A_90 = arith.constant 0 : i32
    %dma_start3A_91 = tpu.memref_slice %arg5[%add3A_89, %dma_start3A_90] : memref<65536x256xf32, #tpu.memory_space<hbm>> -> memref<64x256xf32, #tpu.memory_space<hbm>>
    %dma_start3A_92 = arith.constant 0 : i32
    %dma_start3A_93 = tpu.memref_slice %arg5[%add3A_89, %dma_start3A_92] : memref<65536x256xf32, #tpu.memory_space<hbm>> -> memref<64x256xf32, #tpu.memory_space<hbm>>
    tpu.enqueue_dma source(%arg11 : memref<64x256xf32, #tpu.memory_space<vmem>>) target(%dma_start3A_93 : memref<64x256xf32, #tpu.memory_space<hbm>>) target_semaphore(%arg17 : memref<!tpu.dma_semaphore, #tpu.memory_space<semaphore_mem>>)
    %add3A_94 = arith.constant 0 : i32
    %add3A_95 = arith.addi %mul3A_32, %add3A_94 : i32
    %dma_wait3A_96 = arith.constant 0 : i32
    %dma_wait3A_97 = tpu.memref_slice %arg5[%add3A_95, %dma_wait3A_96] : memref<65536x256xf32, #tpu.memory_space<hbm>> -> memref<64x256xf32, #tpu.memory_space<hbm>>
    %dma_wait3A_98 = arith.constant 0 : i32
    %dma_wait3A_99 = tpu.memref_slice %arg5[%add3A_95, %dma_wait3A_98] : memref<65536x256xf32, #tpu.memory_space<hbm>> -> memref<64x256xf32, #tpu.memory_space<hbm>>
    tpu.wait_dma2 semaphore(%arg16 : memref<!tpu.dma_semaphore, #tpu.memory_space<semaphore_mem>>) src(%arg10 : memref<64x256xf32, #tpu.memory_space<vmem>>) dst(%dma_wait3A_99 : memref<64x256xf32, #tpu.memory_space<hbm>>)
    %dma_start3A_100 = arith.constant 3 : i32
    %dma_start3A_101 = arith.constant 0 : i32
    %dma_start3A_102 = tpu.memref_slice %arg7[%dma_start3A_100, %dma_start3A_101] : memref<32x64xi32, #tpu.memory_space<vmem>> -> memref<1x64xi32, #tpu.memory_space<vmem>>
    %dma_start3A_103 = tpu.memref_squeeze %dma_start3A_102 : memref<1x64xi32, #tpu.memory_space<vmem>> -> memref<64xi32, #tpu.memory_space<vmem>>
    %dma_start3A_104 = arith.constant 0 : i32
    %dma_start3A_105 = arith.constant 0 : i32
    %dma_start3A_106 = tpu.memref_slice %arg2[%dma_start3A_104, %dma_start3A_105] : memref<262144x256xf32, #tpu.memory_space<hbm>> -> memref<262144x256xf32, #tpu.memory_space<hbm>>
    tpu.enqueue_indirect_dma source(%dma_start3A_106 : memref<262144x256xf32, #tpu.memory_space<hbm>>) target(%arg10 : memref<64x256xf32, #tpu.memory_space<vmem>>) offsets(%dma_start3A_103 : memref<64xi32, #tpu.memory_space<vmem>>) semaphore(%arg13 : memref<!tpu.dma_semaphore, #tpu.memory_space<semaphore_mem>>)
    %dma_wait3A_107 = arith.constant 2 : i32
    %dma_wait3A_108 = arith.constant 0 : i32
    %dma_wait3A_109 = tpu.memref_slice %arg7[%dma_wait3A_107, %dma_wait3A_108] : memref<32x64xi32, #tpu.memory_space<vmem>> -> memref<1x64xi32, #tpu.memory_space<vmem>>
    %dma_wait3A_110 = tpu.memref_squeeze %dma_wait3A_109 : memref<1x64xi32, #tpu.memory_space<vmem>> -> memref<64xi32, #tpu.memory_space<vmem>>
    %dma_wait3A_111 = arith.constant 0 : i32
    %dma_wait3A_112 = arith.constant 0 : i32
    %dma_wait3A_113 = tpu.memref_slice %arg2[%dma_wait3A_111, %dma_wait3A_112] : memref<262144x256xf32, #tpu.memory_space<hbm>> -> memref<262144x256xf32, #tpu.memory_space<hbm>>
    tpu.wait_indirect_dma semaphore(%arg15 : memref<!tpu.dma_semaphore, #tpu.memory_space<semaphore_mem>>) src(%dma_wait3A_113 : memref<262144x256xf32, #tpu.memory_space<hbm>>) dst(%arg12 : memref<64x256xf32, #tpu.memory_space<vmem>>)
    %add3A_114 = arith.constant 128 : i32
    %add3A_115 = arith.addi %mul3A_32, %add3A_114 : i32
    %dma_start3A_116 = arith.constant 0 : i32
    %dma_start3A_117 = tpu.memref_slice %arg5[%add3A_115, %dma_start3A_116] : memref<65536x256xf32, #tpu.memory_space<hbm>> -> memref<64x256xf32, #tpu.memory_space<hbm>>
    %dma_start3A_118 = arith.constant 0 : i32
    %dma_start3A_119 = tpu.memref_slice %arg5[%add3A_115, %dma_start3A_118] : memref<65536x256xf32, #tpu.memory_space<hbm>> -> memref<64x256xf32, #tpu.memory_space<hbm>>
    tpu.enqueue_dma source(%arg12 : memref<64x256xf32, #tpu.memory_space<vmem>>) target(%dma_start3A_119 : memref<64x256xf32, #tpu.memory_space<hbm>>) target_semaphore(%arg18 : memref<!tpu.dma_semaphore, #tpu.memory_space<semaphore_mem>>)
    %add3A_120 = arith.constant 64 : i32
    %add3A_121 = arith.addi %mul3A_32, %add3A_120 : i32
    %dma_wait3A_122 = arith.constant 0 : i32
    %dma_wait3A_123 = tpu.memref_slice %arg5[%add3A_121, %dma_wait3A_122] : memref<65536x256xf32, #tpu.memory_space<hbm>> -> memref<64x256xf32, #tpu.memory_space<hbm>>
    %dma_wait3A_124 = arith.constant 0 : i32
    %dma_wait3A_125 = tpu.memref_slice %arg5[%add3A_121, %dma_wait3A_124] : memref<65536x256xf32, #tpu.memory_space<hbm>> -> memref<64x256xf32, #tpu.memory_space<hbm>>
    tpu.wait_dma2 semaphore(%arg17 : memref<!tpu.dma_semaphore, #tpu.memory_space<semaphore_mem>>) src(%arg11 : memref<64x256xf32, #tpu.memory_space<vmem>>) dst(%dma_wait3A_125 : memref<64x256xf32, #tpu.memory_space<hbm>>)
    %dma_start3A_126 = arith.constant 4 : i32
    %dma_start3A_127 = arith.constant 0 : i32
    %dma_start3A_128 = tpu.memref_slice %arg7[%dma_start3A_126, %dma_start3A_127] : memref<32x64xi32, #tpu.memory_space<vmem>> -> memref<1x64xi32, #tpu.memory_space<vmem>>
    %dma_start3A_129 = tpu.memref_squeeze %dma_start3A_128 : memref<1x64xi32, #tpu.memory_space<vmem>> -> memref<64xi32, #tpu.memory_space<vmem>>
    %dma_start3A_130 = arith.constant 0 : i32
    %dma_start3A_131 = arith.constant 0 : i32
    %dma_start3A_132 = tpu.memref_slice %arg2[%dma_start3A_130, %dma_start3A_131] : memref<262144x256xf32, #tpu.memory_space<hbm>> -> memref<262144x256xf32, #tpu.memory_space<hbm>>
    tpu.enqueue_indirect_dma source(%dma_start3A_132 : memref<262144x256xf32, #tpu.memory_space<hbm>>) target(%arg11 : memref<64x256xf32, #tpu.memory_space<vmem>>) offsets(%dma_start3A_129 : memref<64xi32, #tpu.memory_space<vmem>>) semaphore(%arg14 : memref<!tpu.dma_semaphore, #tpu.memory_space<semaphore_mem>>)
    %scan3A_133 = arith.constant 0 : i32
    %scan3A_134 = arith.constant 1 : i32
    %scan3A_135 = arith.constant 9 : i32
    %scan3A_136 = arith.addi %scan3A_134, %scan3A_135 : i32
    %scan3A_137 = arith.constant 1 : i32
    scf.for %scan3A_183 = %scan3A_134 to %scan3A_136 step %scan3A_137  : i32 {
      %mul3A_184 = arith.constant 3 : i32
      %mul3A_185 = arith.muli %scan3A_183, %mul3A_184 : i32
      %add3A_186 = arith.constant 0 : i32
      %add3A_187 = arith.addi %mul3A_185, %add3A_186 : i32
      %dma_wait3A_188 = arith.constant 0 : i32
      %dma_wait3A_189 = tpu.memref_slice %arg7[%add3A_187, %dma_wait3A_188] : memref<32x64xi32, #tpu.memory_space<vmem>> -> memref<1x64xi32, #tpu.memory_space<vmem>>
      %dma_wait3A_190 = tpu.memref_squeeze %dma_wait3A_189 : memref<1x64xi32, #tpu.memory_space<vmem>> -> memref<64xi32, #tpu.memory_space<vmem>>
      %dma_wait3A_191 = arith.constant 0 : i32
      %dma_wait3A_192 = arith.constant 0 : i32
      %dma_wait3A_193 = tpu.memref_slice %arg2[%dma_wait3A_191, %dma_wait3A_192] : memref<262144x256xf32, #tpu.memory_space<hbm>> -> memref<262144x256xf32, #tpu.memory_space<hbm>>
      tpu.wait_indirect_dma semaphore(%arg13 : memref<!tpu.dma_semaphore, #tpu.memory_space<semaphore_mem>>) src(%dma_wait3A_193 : memref<262144x256xf32, #tpu.memory_space<hbm>>) dst(%arg10 : memref<64x256xf32, #tpu.memory_space<vmem>>)
      %mul3A_194 = arith.constant 64 : i32
      %mul3A_195 = arith.muli %add3A_187, %mul3A_194 : i32
      %add3A_196 = arith.addi %mul3A_32, %mul3A_195 : i32
      %dma_start3A_197 = arith.constant 0 : i32
      %dma_start3A_198 = tpu.memref_slice %arg5[%add3A_196, %dma_start3A_197] : memref<65536x256xf32, #tpu.memory_space<hbm>> -> memref<64x256xf32, #tpu.memory_space<hbm>>
      %dma_start3A_199 = arith.constant 0 : i32
      %dma_start3A_200 = tpu.memref_slice %arg5[%add3A_196, %dma_start3A_199] : memref<65536x256xf32, #tpu.memory_space<hbm>> -> memref<64x256xf32, #tpu.memory_space<hbm>>
      tpu.enqueue_dma source(%arg10 : memref<64x256xf32, #tpu.memory_space<vmem>>) target(%dma_start3A_200 : memref<64x256xf32, #tpu.memory_space<hbm>>) target_semaphore(%arg16 : memref<!tpu.dma_semaphore, #tpu.memory_space<semaphore_mem>>)
      %sub3A_201 = arith.constant 1 : i32
      %sub3A_202 = arith.subi %add3A_187, %sub3A_201 : i32
      %mul3A_203 = arith.constant 64 : i32
      %mul3A_204 = arith.muli %sub3A_202, %mul3A_203 : i32
      %add3A_205 = arith.addi %mul3A_32, %mul3A_204 : i32
      %dma_wait3A_206 = arith.constant 0 : i32
      %dma_wait3A_207 = tpu.memref_slice %arg5[%add3A_205, %dma_wait3A_206] : memref<65536x256xf32, #tpu.memory_space<hbm>> -> memref<64x256xf32, #tpu.memory_space<hbm>>
      %dma_wait3A_208 = arith.constant 0 : i32
      %dma_wait3A_209 = tpu.memref_slice %arg5[%add3A_205, %dma_wait3A_208] : memref<65536x256xf32, #tpu.memory_space<hbm>> -> memref<64x256xf32, #tpu.memory_space<hbm>>
      tpu.wait_dma2 semaphore(%arg18 : memref<!tpu.dma_semaphore, #tpu.memory_space<semaphore_mem>>) src(%arg12 : memref<64x256xf32, #tpu.memory_space<vmem>>) dst(%dma_wait3A_209 : memref<64x256xf32, #tpu.memory_space<hbm>>)
      %add3A_210 = arith.constant 2 : i32
      %add3A_211 = arith.addi %add3A_187, %add3A_210 : i32
      %dma_start3A_212 = arith.constant 0 : i32
      %dma_start3A_213 = tpu.memref_slice %arg7[%add3A_211, %dma_start3A_212] : memref<32x64xi32, #tpu.memory_space<vmem>> -> memref<1x64xi32, #tpu.memory_space<vmem>>
      %dma_start3A_214 = tpu.memref_squeeze %dma_start3A_213 : memref<1x64xi32, #tpu.memory_space<vmem>> -> memref<64xi32, #tpu.memory_space<vmem>>
      %dma_start3A_215 = arith.constant 0 : i32
      %dma_start3A_216 = arith.constant 0 : i32
      %dma_start3A_217 = tpu.memref_slice %arg2[%dma_start3A_215, %dma_start3A_216] : memref<262144x256xf32, #tpu.memory_space<hbm>> -> memref<262144x256xf32, #tpu.memory_space<hbm>>
      tpu.enqueue_indirect_dma source(%dma_start3A_217 : memref<262144x256xf32, #tpu.memory_space<hbm>>) target(%arg12 : memref<64x256xf32, #tpu.memory_space<vmem>>) offsets(%dma_start3A_214 : memref<64xi32, #tpu.memory_space<vmem>>) semaphore(%arg15 : memref<!tpu.dma_semaphore, #tpu.memory_space<semaphore_mem>>)
      %mul3A_218 = arith.constant 3 : i32
      %mul3A_219 = arith.muli %scan3A_183, %mul3A_218 : i32
      %add3A_220 = arith.constant 1 : i32
      %add3A_221 = arith.addi %mul3A_219, %add3A_220 : i32
      %dma_wait3A_222 = arith.constant 0 : i32
      %dma_wait3A_223 = tpu.memref_slice %arg7[%add3A_221, %dma_wait3A_222] : memref<32x64xi32, #tpu.memory_space<vmem>> -> memref<1x64xi32, #tpu.memory_space<vmem>>
      %dma_wait3A_224 = tpu.memref_squeeze %dma_wait3A_223 : memref<1x64xi32, #tpu.memory_space<vmem>> -> memref<64xi32, #tpu.memory_space<vmem>>
      %dma_wait3A_225 = arith.constant 0 : i32
      %dma_wait3A_226 = arith.constant 0 : i32
      %dma_wait3A_227 = tpu.memref_slice %arg2[%dma_wait3A_225, %dma_wait3A_226] : memref<262144x256xf32, #tpu.memory_space<hbm>> -> memref<262144x256xf32, #tpu.memory_space<hbm>>
      tpu.wait_indirect_dma semaphore(%arg14 : memref<!tpu.dma_semaphore, #tpu.memory_space<semaphore_mem>>) src(%dma_wait3A_227 : memref<262144x256xf32, #tpu.memory_space<hbm>>) dst(%arg11 : memref<64x256xf32, #tpu.memory_space<vmem>>)
      %mul3A_228 = arith.constant 64 : i32
      %mul3A_229 = arith.muli %add3A_221, %mul3A_228 : i32
      %add3A_230 = arith.addi %mul3A_32, %mul3A_229 : i32
      %dma_start3A_231 = arith.constant 0 : i32
      %dma_start3A_232 = tpu.memref_slice %arg5[%add3A_230, %dma_start3A_231] : memref<65536x256xf32, #tpu.memory_space<hbm>> -> memref<64x256xf32, #tpu.memory_space<hbm>>
      %dma_start3A_233 = arith.constant 0 : i32
      %dma_start3A_234 = tpu.memref_slice %arg5[%add3A_230, %dma_start3A_233] : memref<65536x256xf32, #tpu.memory_space<hbm>> -> memref<64x256xf32, #tpu.memory_space<hbm>>
      tpu.enqueue_dma source(%arg11 : memref<64x256xf32, #tpu.memory_space<vmem>>) target(%dma_start3A_234 : memref<64x256xf32, #tpu.memory_space<hbm>>) target_semaphore(%arg17 : memref<!tpu.dma_semaphore, #tpu.memory_space<semaphore_mem>>)
      %sub3A_235 = arith.constant 1 : i32
      %sub3A_236 = arith.subi %add3A_221, %sub3A_235 : i32
      %mul3A_237 = arith.constant 64 : i32
      %mul3A_238 = arith.muli %sub3A_236, %mul3A_237 : i32
      %add3A_239 = arith.addi %mul3A_32, %mul3A_238 : i32
      %dma_wait3A_240 = arith.constant 0 : i32
      %dma_wait3A_241 = tpu.memref_slice %arg5[%add3A_239, %dma_wait3A_240] : memref<65536x256xf32, #tpu.memory_space<hbm>> -> memref<64x256xf32, #tpu.memory_space<hbm>>
      %dma_wait3A_242 = arith.constant 0 : i32
      %dma_wait3A_243 = tpu.memref_slice %arg5[%add3A_239, %dma_wait3A_242] : memref<65536x256xf32, #tpu.memory_space<hbm>> -> memref<64x256xf32, #tpu.memory_space<hbm>>
      tpu.wait_dma2 semaphore(%arg16 : memref<!tpu.dma_semaphore, #tpu.memory_space<semaphore_mem>>) src(%arg10 : memref<64x256xf32, #tpu.memory_space<vmem>>) dst(%dma_wait3A_243 : memref<64x256xf32, #tpu.memory_space<hbm>>)
      %add3A_244 = arith.constant 2 : i32
      %add3A_245 = arith.addi %add3A_221, %add3A_244 : i32
      %dma_start3A_246 = arith.constant 0 : i32
      %dma_start3A_247 = tpu.memref_slice %arg7[%add3A_245, %dma_start3A_246] : memref<32x64xi32, #tpu.memory_space<vmem>> -> memref<1x64xi32, #tpu.memory_space<vmem>>
      %dma_start3A_248 = tpu.memref_squeeze %dma_start3A_247 : memref<1x64xi32, #tpu.memory_space<vmem>> -> memref<64xi32, #tpu.memory_space<vmem>>
      %dma_start3A_249 = arith.constant 0 : i32
      %dma_start3A_250 = arith.constant 0 : i32
      %dma_start3A_251 = tpu.memref_slice %arg2[%dma_start3A_249, %dma_start3A_250] : memref<262144x256xf32, #tpu.memory_space<hbm>> -> memref<262144x256xf32, #tpu.memory_space<hbm>>
      tpu.enqueue_indirect_dma source(%dma_start3A_251 : memref<262144x256xf32, #tpu.memory_space<hbm>>) target(%arg10 : memref<64x256xf32, #tpu.memory_space<vmem>>) offsets(%dma_start3A_248 : memref<64xi32, #tpu.memory_space<vmem>>) semaphore(%arg13 : memref<!tpu.dma_semaphore, #tpu.memory_space<semaphore_mem>>)
      %mul3A_252 = arith.constant 3 : i32
      %mul3A_253 = arith.muli %scan3A_183, %mul3A_252 : i32
      %add3A_254 = arith.constant 2 : i32
      %add3A_255 = arith.addi %mul3A_253, %add3A_254 : i32
      %dma_wait3A_256 = arith.constant 0 : i32
      %dma_wait3A_257 = tpu.memref_slice %arg7[%add3A_255, %dma_wait3A_256] : memref<32x64xi32, #tpu.memory_space<vmem>> -> memref<1x64xi32, #tpu.memory_space<vmem>>
      %dma_wait3A_258 = tpu.memref_squeeze %dma_wait3A_257 : memref<1x64xi32, #tpu.memory_space<vmem>> -> memref<64xi32, #tpu.memory_space<vmem>>
      %dma_wait3A_259 = arith.constant 0 : i32
      %dma_wait3A_260 = arith.constant 0 : i32
      %dma_wait3A_261 = tpu.memref_slice %arg2[%dma_wait3A_259, %dma_wait3A_260] : memref<262144x256xf32, #tpu.memory_space<hbm>> -> memref<262144x256xf32, #tpu.memory_space<hbm>>
      tpu.wait_indirect_dma semaphore(%arg15 : memref<!tpu.dma_semaphore, #tpu.memory_space<semaphore_mem>>) src(%dma_wait3A_261 : memref<262144x256xf32, #tpu.memory_space<hbm>>) dst(%arg12 : memref<64x256xf32, #tpu.memory_space<vmem>>)
      %mul3A_262 = arith.constant 64 : i32
      %mul3A_263 = arith.muli %add3A_255, %mul3A_262 : i32
      %add3A_264 = arith.addi %mul3A_32, %mul3A_263 : i32
      %dma_start3A_265 = arith.constant 0 : i32
      %dma_start3A_266 = tpu.memref_slice %arg5[%add3A_264, %dma_start3A_265] : memref<65536x256xf32, #tpu.memory_space<hbm>> -> memref<64x256xf32, #tpu.memory_space<hbm>>
      %dma_start3A_267 = arith.constant 0 : i32
      %dma_start3A_268 = tpu.memref_slice %arg5[%add3A_264, %dma_start3A_267] : memref<65536x256xf32, #tpu.memory_space<hbm>> -> memref<64x256xf32, #tpu.memory_space<hbm>>
      tpu.enqueue_dma source(%arg12 : memref<64x256xf32, #tpu.memory_space<vmem>>) target(%dma_start3A_268 : memref<64x256xf32, #tpu.memory_space<hbm>>) target_semaphore(%arg18 : memref<!tpu.dma_semaphore, #tpu.memory_space<semaphore_mem>>)
      %sub3A_269 = arith.constant 1 : i32
      %sub3A_270 = arith.subi %add3A_255, %sub3A_269 : i32
      %mul3A_271 = arith.constant 64 : i32
      %mul3A_272 = arith.muli %sub3A_270, %mul3A_271 : i32
      %add3A_273 = arith.addi %mul3A_32, %mul3A_272 : i32
      %dma_wait3A_274 = arith.constant 0 : i32
      %dma_wait3A_275 = tpu.memref_slice %arg5[%add3A_273, %dma_wait3A_274] : memref<65536x256xf32, #tpu.memory_space<hbm>> -> memref<64x256xf32, #tpu.memory_space<hbm>>
      %dma_wait3A_276 = arith.constant 0 : i32
      %dma_wait3A_277 = tpu.memref_slice %arg5[%add3A_273, %dma_wait3A_276] : memref<65536x256xf32, #tpu.memory_space<hbm>> -> memref<64x256xf32, #tpu.memory_space<hbm>>
      tpu.wait_dma2 semaphore(%arg17 : memref<!tpu.dma_semaphore, #tpu.memory_space<semaphore_mem>>) src(%arg11 : memref<64x256xf32, #tpu.memory_space<vmem>>) dst(%dma_wait3A_277 : memref<64x256xf32, #tpu.memory_space<hbm>>)
      %add3A_278 = arith.constant 2 : i32
      %add3A_279 = arith.addi %add3A_255, %add3A_278 : i32
      %dma_start3A_280 = arith.constant 0 : i32
      %dma_start3A_281 = tpu.memref_slice %arg7[%add3A_279, %dma_start3A_280] : memref<32x64xi32, #tpu.memory_space<vmem>> -> memref<1x64xi32, #tpu.memory_space<vmem>>
      %dma_start3A_282 = tpu.memref_squeeze %dma_start3A_281 : memref<1x64xi32, #tpu.memory_space<vmem>> -> memref<64xi32, #tpu.memory_space<vmem>>
      %dma_start3A_283 = arith.constant 0 : i32
      %dma_start3A_284 = arith.constant 0 : i32
      %dma_start3A_285 = tpu.memref_slice %arg2[%dma_start3A_283, %dma_start3A_284] : memref<262144x256xf32, #tpu.memory_space<hbm>> -> memref<262144x256xf32, #tpu.memory_space<hbm>>
      tpu.enqueue_indirect_dma source(%dma_start3A_285 : memref<262144x256xf32, #tpu.memory_space<hbm>>) target(%arg11 : memref<64x256xf32, #tpu.memory_space<vmem>>) offsets(%dma_start3A_282 : memref<64xi32, #tpu.memory_space<vmem>>) semaphore(%arg14 : memref<!tpu.dma_semaphore, #tpu.memory_space<semaphore_mem>>)
    }
    %scan3A_138 = arith.constant 9 : i32
    %dma_wait3A_139 = arith.constant 30 : i32
    %dma_wait3A_140 = arith.constant 0 : i32
    %dma_wait3A_141 = tpu.memref_slice %arg7[%dma_wait3A_139, %dma_wait3A_140] : memref<32x64xi32, #tpu.memory_space<vmem>> -> memref<1x64xi32, #tpu.memory_space<vmem>>
    %dma_wait3A_142 = tpu.memref_squeeze %dma_wait3A_141 : memref<1x64xi32, #tpu.memory_space<vmem>> -> memref<64xi32, #tpu.memory_space<vmem>>
    %dma_wait3A_143 = arith.constant 0 : i32
    %dma_wait3A_144 = arith.constant 0 : i32
    %dma_wait3A_145 = tpu.memref_slice %arg2[%dma_wait3A_143, %dma_wait3A_144] : memref<262144x256xf32, #tpu.memory_space<hbm>> -> memref<262144x256xf32, #tpu.memory_space<hbm>>
    tpu.wait_indirect_dma semaphore(%arg13 : memref<!tpu.dma_semaphore, #tpu.memory_space<semaphore_mem>>) src(%dma_wait3A_145 : memref<262144x256xf32, #tpu.memory_space<hbm>>) dst(%arg10 : memref<64x256xf32, #tpu.memory_space<vmem>>)
    %add3A_146 = arith.constant 1920 : i32
    %add3A_147 = arith.addi %mul3A_32, %add3A_146 : i32
    %dma_start3A_148 = arith.constant 0 : i32
    %dma_start3A_149 = tpu.memref_slice %arg5[%add3A_147, %dma_start3A_148] : memref<65536x256xf32, #tpu.memory_space<hbm>> -> memref<64x256xf32, #tpu.memory_space<hbm>>
    %dma_start3A_150 = arith.constant 0 : i32
    %dma_start3A_151 = tpu.memref_slice %arg5[%add3A_147, %dma_start3A_150] : memref<65536x256xf32, #tpu.memory_space<hbm>> -> memref<64x256xf32, #tpu.memory_space<hbm>>
    tpu.enqueue_dma source(%arg10 : memref<64x256xf32, #tpu.memory_space<vmem>>) target(%dma_start3A_151 : memref<64x256xf32, #tpu.memory_space<hbm>>) target_semaphore(%arg16 : memref<!tpu.dma_semaphore, #tpu.memory_space<semaphore_mem>>)
    %add3A_152 = arith.constant 1856 : i32
    %add3A_153 = arith.addi %mul3A_32, %add3A_152 : i32
    %dma_wait3A_154 = arith.constant 0 : i32
    %dma_wait3A_155 = tpu.memref_slice %arg5[%add3A_153, %dma_wait3A_154] : memref<65536x256xf32, #tpu.memory_space<hbm>> -> memref<64x256xf32, #tpu.memory_space<hbm>>
    %dma_wait3A_156 = arith.constant 0 : i32
    %dma_wait3A_157 = tpu.memref_slice %arg5[%add3A_153, %dma_wait3A_156] : memref<65536x256xf32, #tpu.memory_space<hbm>> -> memref<64x256xf32, #tpu.memory_space<hbm>>
    tpu.wait_dma2 semaphore(%arg18 : memref<!tpu.dma_semaphore, #tpu.memory_space<semaphore_mem>>) src(%arg12 : memref<64x256xf32, #tpu.memory_space<vmem>>) dst(%dma_wait3A_157 : memref<64x256xf32, #tpu.memory_space<hbm>>)
    %dma_wait3A_158 = arith.constant 31 : i32
    %dma_wait3A_159 = arith.constant 0 : i32
    %dma_wait3A_160 = tpu.memref_slice %arg7[%dma_wait3A_158, %dma_wait3A_159] : memref<32x64xi32, #tpu.memory_space<vmem>> -> memref<1x64xi32, #tpu.memory_space<vmem>>
    %dma_wait3A_161 = tpu.memref_squeeze %dma_wait3A_160 : memref<1x64xi32, #tpu.memory_space<vmem>> -> memref<64xi32, #tpu.memory_space<vmem>>
    %dma_wait3A_162 = arith.constant 0 : i32
    %dma_wait3A_163 = arith.constant 0 : i32
    %dma_wait3A_164 = tpu.memref_slice %arg2[%dma_wait3A_162, %dma_wait3A_163] : memref<262144x256xf32, #tpu.memory_space<hbm>> -> memref<262144x256xf32, #tpu.memory_space<hbm>>
    tpu.wait_indirect_dma semaphore(%arg14 : memref<!tpu.dma_semaphore, #tpu.memory_space<semaphore_mem>>) src(%dma_wait3A_164 : memref<262144x256xf32, #tpu.memory_space<hbm>>) dst(%arg11 : memref<64x256xf32, #tpu.memory_space<vmem>>)
    %add3A_165 = arith.constant 1984 : i32
    %add3A_166 = arith.addi %mul3A_32, %add3A_165 : i32
    %dma_start3A_167 = arith.constant 0 : i32
    %dma_start3A_168 = tpu.memref_slice %arg5[%add3A_166, %dma_start3A_167] : memref<65536x256xf32, #tpu.memory_space<hbm>> -> memref<64x256xf32, #tpu.memory_space<hbm>>
    %dma_start3A_169 = arith.constant 0 : i32
    %dma_start3A_170 = tpu.memref_slice %arg5[%add3A_166, %dma_start3A_169] : memref<65536x256xf32, #tpu.memory_space<hbm>> -> memref<64x256xf32, #tpu.memory_space<hbm>>
    tpu.enqueue_dma source(%arg11 : memref<64x256xf32, #tpu.memory_space<vmem>>) target(%dma_start3A_170 : memref<64x256xf32, #tpu.memory_space<hbm>>) target_semaphore(%arg17 : memref<!tpu.dma_semaphore, #tpu.memory_space<semaphore_mem>>)
    %add3A_171 = arith.constant 1920 : i32
    %add3A_172 = arith.addi %mul3A_32, %add3A_171 : i32
    %dma_wait3A_173 = arith.constant 0 : i32
    %dma_wait3A_174 = tpu.memref_slice %arg5[%add3A_172, %dma_wait3A_173] : memref<65536x256xf32, #tpu.memory_space<hbm>> -> memref<64x256xf32, #tpu.memory_space<hbm>>
    %dma_wait3A_175 = arith.constant 0 : i32
    %dma_wait3A_176 = tpu.memref_slice %arg5[%add3A_172, %dma_wait3A_175] : memref<65536x256xf32, #tpu.memory_space<hbm>> -> memref<64x256xf32, #tpu.memory_space<hbm>>
    tpu.wait_dma2 semaphore(%arg16 : memref<!tpu.dma_semaphore, #tpu.memory_space<semaphore_mem>>) src(%arg10 : memref<64x256xf32, #tpu.memory_space<vmem>>) dst(%dma_wait3A_176 : memref<64x256xf32, #tpu.memory_space<hbm>>)
    %add3A_177 = arith.constant 1984 : i32
    %add3A_178 = arith.addi %mul3A_32, %add3A_177 : i32
    %dma_wait3A_179 = arith.constant 0 : i32
    %dma_wait3A_180 = tpu.memref_slice %arg5[%add3A_178, %dma_wait3A_179] : memref<65536x256xf32, #tpu.memory_space<hbm>> -> memref<64x256xf32, #tpu.memory_space<hbm>>
    %dma_wait3A_181 = arith.constant 0 : i32
    %dma_wait3A_182 = tpu.memref_slice %arg5[%add3A_178, %dma_wait3A_181] : memref<65536x256xf32, #tpu.memory_space<hbm>> -> memref<64x256xf32, #tpu.memory_space<hbm>>
    tpu.wait_dma2 semaphore(%arg17 : memref<!tpu.dma_semaphore, #tpu.memory_space<semaphore_mem>>) src(%arg11 : memref<64x256xf32, #tpu.memory_space<vmem>>) dst(%dma_wait3A_182 : memref<64x256xf32, #tpu.memory_space<hbm>>)
    return
  }
}

</mosaic_0001>

<sc_bundles>
// kernel: kernel.3.cloned.1.call-start
scs
__scs_entry_jumppad:
0x0: {  	(pc) =	sbr.rel $0x88, $3  }
0x1: {  	(tag) =	ssettag $0x0;
	lr =	simm.s32 $0x1  }
0x2: {  	[smem:$0x3F9F] =	sst lr;
	_ =	strace $0xD0000000  }
0x3: {  	_ = 	snop  }
0x4: {  	_ = 	snop  }
0x5: {  	_ = 	snop  }
0x6: {  	_ = 	snop  }
0x7: {  	_ = 	snop  }
__scs_overlays_trampoline_lowered:
0x8: {  	[smem:$0x3FAE] =	sst s0  }
0x9: {  	[smem:$0x3FAF] =	sst s1  }
0xa: {  	[smem:$0x3FB0] =	sst s2  }
0xb: {  	[smem:$0x3FB1] =	sst s3  }
0xc: {  	[smem:$0x3FB2] =	sst s4  }
0xd: {  	[smem:$0x3FB3] =	sst s5  }
0xe: {  	[smem:$0x3FB4] =	sst s6  }
0xf: {  	[smem:$0x3FB5] =	sst s7  }
0x10: {  	[smem:$0x3FB6] =	sst s8  }
0x11: {  	[smem:$0x3FB7] =	sst s9;
	s0 =	simm.s32 @!p0 $0x0  }
0x12: {  	s1 =	sld [smem:$0x3F9D];
	s0 =	simm.s32 @p0 $0x1  }
0x13: {  	[smem:$0x3FB8] =	sst s0;
	s0 =	simm.s32 @!p1 $0x0  }
0x14: {  	s2 =	sld [smem:$0x3F9C];
	s0 =	simm.s32 @p1 $0x1  }
0x15: {  	[smem:$0x3FB9] =	sst s0;
	s0 =	simm.s32 @!p2 $0x0  }
0x16: {  	s3 =	sld [smem:$0x3FDB];
	s0 =	simm.s32 @p2 $0x1  }
0x17: {  	s4 =	simm.s32 $0x1BF5;
	[smem:$0x3FBB] =	sst s0  }
0x18: {  	s0 =	sld [smem:$0x3F9E];
	_ =	swait.ge [sflag:s4], $0x0  }
0x19: {  	s7 =	sld [smem:$0x3F9F]  }
0x1a: {  	s8 =	sadd.s32 $0xFFFFE003, lr  }
0x1b: {  	s9 =	sadd.s32 $0xFFFFFEF7, lr;
	s5 =	simm.s32 $0xFFFFFFFF;
	p2 =	slt.u32 s8, $0xFFFFF086  }
0x1c: {  	p1 =	slt.u32 s9, $0xF7A;
	s5 =	simm.s32 @!p2 $0x0  }
0x1d: {  	s5 =	simm.s32 @p1 $0x1;
	p0 =	seq.s32 s7, s2  }
0x1e: {  	s7 =	smul.u32 @!p0 $0xF7A, s2;
	p2 =	seq.s32 @!p0 s5, $0x0  }
0x1f: {  	s9 =	smul.u32 $0xF7A, s1;
	s8 =	simm.s32 @!p0 $0x1BF5;
	p2 =	por !p2, p0  }
0x20: {  	[sflag:s8] =	ssyncset.s32 @!p0 $0xFFFFF086;
	s6 =	sadd.s32 @!p0 s3, s7;
	s7 =	simm.s32 @!p0 $0x108  }
0x21: {  	s3 =	sadd.s32 s3, s9;
	s6 =	sadd.s32 @!p0 $0x88, s6;
	s7 =	simm.s32 @p2 $0x1082  }
0x22: {  	[simem:s7], [sflag:s8] =	dma.local @!p0 [hbm:s6], $0xF7A  }
0x23: {  	s9 =	sor.u32 $0xD0000000, s2;
	s6 =	simm.s32 $0x108;
	_ =	swait.ge @!p0 [sflag:s8], $0x0  }
0x24: {  	s3 =	sadd.s32 $0x88, s3;
	s6 =	simm.s32 @!p1 $0x1082;
	[sflag:s4] =	ssyncset.s32 $0xFFFFF086  }
0x25: {  	[simem:s6], [sflag:s4] =	dma.local [hbm:s3], $0xF7A  }
0x26: {  	[smem:$0x3F9F] =	sst s1;
	(tag) =	ssettag s2;
	_ =	strace s9  }
0x27: {  	s1 =	sld [smem:$0x3FAF]  }
0x28: {  	s2 =	sld [smem:$0x3FB0]  }
0x29: {  	s4 =	sld [smem:$0x3FB2]  }
0x2a: {  	p0 =	seq.s32 s5, $0x0;
	s5 =	sld [smem:$0x3FB3]  }
0x2b: {  	s6 =	sld [smem:$0x3FB4]  }
0x2c: {  	s7 =	sld [smem:$0x3FB5]  }
0x2d: {  	s3 =	simm.s32 $0x108;
	s8 =	sld [smem:$0x3FB6]  }
0x2e: {  	s3 =	simm.s32 @!p0 $0x1082;
	s9 =	sld [smem:$0x3FB7]  }
0x2f: {  	lr =	sadd.s32 s0, s3;
	s0 =	sld [smem:$0x3FAE]  }
0x30: {  	s3 =	sld [smem:$0x3FB1]  }
0x31: {  	[smem:$0x3FBA] =	sst s10  }
0x32: {  	s10 =	sld [smem:$0x3FB8];
	_ =	sdelay $0x3  }
0x33: {  	p0 =	seq.s32 s10, $0x1;
	s10 =	sld [smem:$0x3FBA];
	_ =	sdelay $0x3  }
0x34: {  	[smem:$0x3FBA] =	sst s10  }
0x35: {  	s10 =	sld [smem:$0x3FB9];
	_ =	sdelay $0x3  }
0x36: {  	p1 =	seq.s32 s10, $0x1;
	s10 =	sld [smem:$0x3FBA];
	_ =	sdelay $0x3  }
0x37: {  	[smem:$0x3FBA] =	sst s10  }
0x38: {  	s10 =	sld [smem:$0x3FBB]  }
0x39: {  	_ = 	snop;
	(pc) =	sbr.ind lr, $3  }
0x3a: {  	_ = 	snop  }
0x3b: {  	_ = 	snop  }
0x3c: {  	p2 =	seq.s32 s10, $0x1;
	s10 =	sld [smem:$0x3FBA]  }
0x3d: {  	_ =	shalt  }
0x3e: {  	_ =	shalt  }
0x3f: {  	_ =	shalt  }
0x40: {  	_ =	shalt  }
0x41: {  	_ =	shalt  }
0x42: {  	_ =	shalt  }
0x43: {  	_ =	shalt  }
0x44: {  	_ =	shalt  }
0x45: {  	_ =	shalt  }
0x46: {  	_ =	shalt  }
0x47: {  	_ =	shalt  }
0x48: {  	_ =	shalt  }
0x49: {  	_ =	shalt  }
0x4a: {  	_ =	shalt  }
0x4b: {  	_ =	shalt  }
0x4c: {  	_ =	shalt  }
0x4d: {  	_ =	shalt  }
0x4e: {  	_ =	shalt  }
0x4f: {  	_ =	shalt  }
0x50: {  	_ =	shalt  }
0x51: {  	_ =	shalt  }
0x52: {  	_ =	shalt  }
0x53: {  	_ =	shalt  }
0x54: {  	_ =	shalt  }
0x55: {  	_ =	shalt  }
0x56: {  	_ =	shalt  }
0x57: {  	_ =	shalt  }
0x58: {  	_ =	shalt  }
0x59: {  	_ =	shalt  }
0x5a: {  	_ =	shalt  }
0x5b: {  	_ =	shalt  }
0x5c: {  	_ =	shalt  }
0x5d: {  	_ =	shalt  }
0x5e: {  	_ =	shalt  }
0x5f: {  	_ =	shalt  }
0x60: {  	_ =	shalt  }
0x61: {  	_ =	shalt  }
0x62: {  	_ =	shalt  }
0x63: {  	_ =	shalt  }
0x64: {  	_ =	shalt  }
0x65: {  	_ =	shalt  }
0x66: {  	_ =	shalt  }
0x67: {  	_ =	shalt  }
0x68: {  	_ =	shalt  }
0x69: {  	_ =	shalt  }
0x6a: {  	_ =	shalt  }
0x6b: {  	_ =	shalt  }
0x6c: {  	_ =	shalt  }
0x6d: {  	_ =	shalt  }
0x6e: {  	_ =	shalt  }
0x6f: {  	_ =	shalt  }
0x70: {  	_ =	shalt  }
0x71: {  	_ =	shalt  }
0x72: {  	_ =	shalt  }
0x73: {  	_ =	shalt  }
0x74: {  	_ =	shalt  }
0x75: {  	_ =	shalt  }
0x76: {  	_ =	shalt  }
0x77: {  	_ =	shalt  }
0x78: {  	_ =	shalt  }
0x79: {  	_ =	shalt  }
0x7a: {  	_ =	shalt  }
0x7b: {  	_ =	shalt  }
0x7c: {  	_ =	shalt  }
0x7d: {  	_ =	shalt  }
0x7e: {  	_ =	shalt  }
0x7f: {  	_ =	shalt  }
0x80: {  	_ =	shalt  }
0x81: {  	_ =	shalt  }
0x82: {  	_ =	shalt  }
0x83: {  	_ =	shalt  }
0x84: {  	_ =	shalt  }
0x85: {  	_ =	shalt  }
0x86: {  	_ =	shalt  }
0x87: {  	_ =	shalt  }
.Lfunc_end0:
.L_simem_size_0:
called_computation_lowered:
.L_overlay_start_0:
0x88: {  	s2 =	sld [smem:$0x3FD9]  }
0x89: {  	s3 =	sld [smem:$0x3FFE];
	_ =	sdelay $0x1  }
0x8a: {  	s1 =	srdreg.scid  }
0x8b: {  	s0 =	sand.u32 $0x1, s1  }
0x8c: {  	s14 =	sshll.u32 s0, $0xA;
	s2 =	sadd.s32 s3, s2  }
0x8d: {  	s2 =	sadd.s32 s2, s14  }
0x8e: {  	[smem:$0x3FC6] =	sst s2  }
0x8f: {  	_ = 	snop  }
0x90: {  	s2 =	sld [smem:$0x3FD0];
	_ =	sdelay $0x1  }
0x91: {  	s15 =	sld [smem:$0x3FC9]  }
0x92: {  	s5 =	simm.s32 $0xA;
	s6 =	simm.s32 $0x10;
	s4 =	sld [smem:$0x3FC8]  }
0x93: {  	[smem:s6], [sflag:s5] =	dma.local [hbm:s2], $0x1  }
0x94: {  	_ =	swait.eq [sflag:s5], $0x1  }
0x95: {  	[sflag:s5] =	ssyncset.done $0x0  }
0x96: {  	s16 =	sld [smem:$0x10];
	[sflag:s5] =	ssyncadd.s32 $0xFFFFFFFF  }
0x97: {  	s17 =	sld [smem:$0x11];
	(tm) =	ssettm $0x1  }
0x98: {  	s18 =	sld [smem:$0x3FFB];
	_ =	sdelay $0x3  }
0x99: {  	_ =	strace s18  }
0x9a: {  	s6 =	sld [smem:$0x3FFC];
	_ =	sdelay $0x3  }
0x9b: {  	_ =	strace s6  }
0x9c: {  	s6 =	sld [smem:$0x3FFD];
	_ =	sdelay $0x3  }
0x9d: {  	_ =	strace s6  }
0x9e: {  	_ =	strace $0x8FFFFFFF  }
0x9f: {  	s19 =	sld [smem:$0x3FDB];
	_ =	sdelay $0x1  }
0xa0: {  	s7 =	simm.s32 $_scs_section_size  }
0xa1: {  	s8 =	simm.s32 $_size__tile_overlayer_lowered;
	s9 =	simm.s32 $_tile_overlayer_lowered  }
0xa2: {  	s22 =	simm.s32 $0x1BFF;
	s21 =	sshll.u32 s9, $0x1;
	s6 =	sadd.s32 s7, s19  }
0xa3: {  	s10 =	simm.s32 $0x0;
	s20 =	sshll.u32 s8, $0x1;
	s8 =	sadd.s32 s21, s6  }
0xa4: {  	[timem:s10], [sflag:s22] =	dma.local [hbm:s8], s20  }
0xa5: {  	_ =	swait.ge [sflag:s22], s20  }
0xa6: {  	s7 =	ssub.s32 $0x0, s20;
	[sflag:s22] =	ssyncset.done $0x0  }
0xa7: {  	[sflag:s22] =	ssyncadd.s32 s7;
	_ =	sdelay $0x1  }
0xa8: {  	s23 =	simm.s32 $0x1B8B  }
0xa9: {  	_ =	swait.ge [sflag:s23], $0x1  }
0xaa: {  	[sflag:s23] =	ssyncset.done $0x0  }
0xab: {  	s25 =	simm.s32 $0x1B8E;
	s24 =	sld [smem:$0x3FFE];
	[sflag:s23] =	ssyncadd.s32 $0xFFFFFFFF  }
0xac: {  	s26 =	simm.s32 $execute0_lowered;
	[smem:$0x3FD2] =	sst s25  }
0xad: {  	s8 =	sshll.u32 s26, $0x1;
	_ =	strace $0x80000046;
	[dreg:$0x1] =	wrdreg $0xFFFFFFFF  }
0xae: {  	s28 =	simm.s32 $_size_execute0_lowered;
	s6 =	sadd.s32 s6, s8;
	[dreg:$0x0] =	wrdreg $0x0  }
0xaf: {  	s8 =	sshll.u32 s28, $0x1;
	[dreg:$0x2] =	wrdreg s6  }
0xb0: {  	[dreg:$0x3] =	wrdreg s8  }
0xb1: {  	[dreg:$0x4] =	wrdreg $0xC0  }
0xb2: {  	_ =	task [dreg:s10], $0x5FFFF  }
0xb3: {  	[dreg:$0x1] =	wrdreg $0xFFFFFFFF  }
0xb4: {  	[dreg:$0x0] =	wrdreg $0x60  }
0xb5: {  	[dreg:$0x2] =	wrdreg s4  }
0xb6: {  	[dreg:$0x3] =	wrdreg s15  }
0xb7: {  	[dreg:$0x4] =	wrdreg s24  }
0xb8: {  	[dreg:$0x5] =	wrdreg s17  }
0xb9: {  	[dreg:$0x6] =	wrdreg s16  }
0xba: {  	[dreg:$0x7] =	wrdreg $0x9  }
0xbb: {  	_ =	task.clear_ibuf [dreg:s10], $0x8FFFF;
	_ =	strace $0x90000046  }
0xbc: {  	s29 =	simm.s32 $0x9;
	_ =	strace $0x80000048  }
0xbd: {  	_ =	swait.ge [sflag:s29], $0x1  }
0xbe: {  	[sflag:s29] =	ssyncadd.s32 $0xFFFFFFFF  }
0xbf: {  	_ =	strace $0x90000048  }
0xc0: {  	_ =	sfence  }
0xc1: {  	s30 =	sld [smem:$0x0];
	_ =	sdelay $0x2  }
0xc2: {  	s31 =	sshll.u32 s1, $0xD;
	s1 =	sshrl.u32 s1, $0x2  }
0xc3: {  	s3 =	sand.u32 $0x4000, s31;
	s1 =	sadd.s32 s1, s30  }
0xc4: {  	s0 =	sor.u32 s3, s0;
	s1 =	sshll.u32 s1, $0x11  }
0xc5: {  	s0 =	sor.u32 s1, s0  }
0xc6: {  	s0 =	sadd.s32 $0x8F2B, s0  }
0xc7: {  	[sflag:s0] =	ssyncadd.remote.s32 $0x1  }
0xc8: {  	_ =	sfence.sel $0xFFFF  }
0xc9: {  	[dreg:$0x0] =	wrdreg $0xFFFFFFFF;
	(pc) =	sbr.abs _section_cstart, $3  }
0xca: {  	[dreg:$0x1] =	wrdreg $0xFFFFFFFF  }
0xcb: {  	_ =	task.clear_ibuf [dreg:s10], $0x2FFFF;
	_ =	strace $0x9FFFFFFF  }
0xcc: {  	(tm) =	ssettm $0x7FFFFFFF  }
0xcd: {  	_ =	shalt  }
tec
execute0_lowered:
.L_overlay_start_1:
0x0: {  	(tag) =	ssettag $0x1  }
0x1: {  	s1 =	rddreg [dreg:$0x0]  }
0x2: {  	s5 =	rddreg [dreg:$0x1]  }
0x3: {  	s0 =	srdreg.scid;
	s4 =	rddreg [dreg:$0x2]  }
0x4: {  	s16 =	stileid.u32;
	s9 =	rddreg [dreg:$0x3]  }
0x5: {  	s10 =	rddreg [dreg:$0x4];
	s6 =	simm.s32 $0x1;
	s3 =	simm.s32 $0x0  }
0x6: {  	s28 =	simm.s32 $0x7;
	s30 =	simm.s32 $0x14000;
	s31 =	simm.s32 $0x14800  }
0x7: {  	s29 =	simm.s32 $0x17800;
	s0 =	sand.u32 $0x1, s0;
	s2 =	sshll.u32 s16, $0x1  }
0x8: {  	[smem:$0x7FF] =	sst s3;
	s2 =	sor.u32 s0, s2;
	p1 =	seq.s32 s0, $0x1  }
0x9: {  	_ =	strace $0x80000047;
	s8 =	ssub.s32 $0x2, s0;
	s15 =	sshll.u32 s0, $0xE  }
0xa: {  	s0 =	sshll.u32 s0, $0x10;
	p0 =	seq.s32 s2, $0x0;
	s24 =	sshll.u32 s2, $0x9  }
0xb: {  	s14 =	sshrl.u32 s8, $0x1;
	s2 =	sshll.u32 s2, $0x10;
	p0 =	por !p0, !p1  }
0xc: {  	s14 =	ssub.s32 s8, s14;
	s22 =	sadd.s32 s9, s2;
	p0 =	por !p0, !p0  }
0xd: {  	s2 =	sadd.s32 $0x800, s22;
	[dreg:$0xb] =	wrdreg s22;
	s6 =	simm.s32 @!p0 $0x0  }
0xe: {  	s23 =	sadd.s32 $0x1000, s22;
	[dreg:$0xc] =	wrdreg s2;
	s11 =	ssub.s32 s16, s6  }
0xf: {  	[dreg:$0xd] =	wrdreg s23;
	s23 =	simm.s32 $0x4;
	s7 =	sshrl.u32 s11, $0x3  }
0x10: {  	s6 =	sshll.u32 s11, $0x7;
	s20 =	sshll.u32 s11, $0xE;
	s12 =	sshll.u32 s7, $0x11  }
0x11: {  	s13 =	sand.u32 $0x380, s6;
	s6 =	sadd.s32 s24, s4;
	s4 =	simm.s32 $0x1  }
0x12: {  	s7 =	sshll.u32 s7, $0xF;
	s24 =	sshll.u32 s16, $0x11;
	s16 =	simm.s32 $0x15800  }
0x13: {  	v0 =	vmov s20;
	s20 =	simm.s32 $0x2;
	s12 =	sor.u32 s13, s12;
	s6 =	sadd.s32 $0x800, s6  }
0x14: {  	s15 =	sor.u32 s15, s7;
	s2 =	sadd.s32 s24, s9;
	s9 =	simm.s32 $0x18800  }
0x15: {  	s24 =	simm.s32 $0x1C000;
	s25 =	sshrl.u32 s12, $0x3;
	[dreg:$0x7] =	wrdreg s6  }
0x16: {  	s26 =	sadd.s32 $0x40000, s12;
	s12 =	sadd.s32 $0x80000, s12;
	s15 =	sor.u32 s13, s15  }
0x17: {  	s0 =	sadd.s32 s0, s2;
	s2 =	simm.s32 $0x13800;
	s13 =	simm.s32 $0x15000  }
0x18: {  	s6 =	sadd.s32 s5, s25;
	s8 =	sshrl.u32 s26, $0x3;
	s12 =	sshrl.u32 s12, $0x3  }
0x19: {  	s17 =	sshrl.u32 s15, $0x3;
	s18 =	sadd.s32 $0x10000, s15;
	s19 =	sadd.s32 $0x20000, s15  }
0x1a: {  	s25 =	sadd.s32 $0xF000, s22;
	s26 =	smax.u32 s14, $0x1;
	[dreg:$0x6] =	wrdreg s0  }
0x1b: {  	s15 =	simm.s32 $0x17000;
	s14 =	simm.s32 $0x3000;
	s7 =	sadd.s32 s5, s8  }
0x1c: {  	s8 =	sadd.s32 s5, s12;
	s5 =	sadd.s32 s10, s17;
	[dreg:$0xe] =	wrdreg s25  }
0x1d: {  	s11 =	sshrl.u32 s19, $0x3;
	[dreg:$0x10] =	wrdreg s26;
	s25 =	simm.s32 $0x13000  }
0x1e: {  	s17 =	simm.s32 $0x16000;
	s12 =	simm.s32 $0x16800;
	s19 =	simm.s32 $0x1A800  }
0x1f: {  	s26 =	simm.s32 $0x0;
	[dreg:$0x8] =	wrdreg s5;
	s5 =	sshrl.u32 s18, $0x3  }
0x20: {  	s21 =	sadd.s32 s10, s11;
	s18 =	simm.s32 $0x18000;
	s11 =	simm.s32 $0x19800  }
0x21: {  	v3 =	vlaneseq.u32;
	s5 =	sadd.s32 s10, s5;
	[dreg:$0xa] =	wrdreg s21;
	s10 =	simm.s32 $0x19000  }
0x22: {  	vm0 =	vmmov $0xffff;
	v2 =	vshrl.u32 v3, $0x3;
	s21 =	simm.s32 $0x1E000;
	[dreg:$0x9] =	wrdreg s5;
	s5 =	sadd.s32 $0xF800, s22  }
0x23: {  	v1 =	vand.u32 $0x7, v3;
	v3 =	vor.u32 $0x8, v3;
	v2 =	vmul.u32 $0x8, v2;
	s22 =	simm.s32 $0x1B800;
	[dreg:$0xf] =	wrdreg s5;
	s5 =	simm.s32 $0x1A000  }
.LBB2_1:
0x24: {  	[dreg:$0x11] =	wrdreg s26  }
0x25: {  	s0 =	rddreg [dreg:$0x7]  }
0x26: {  	[tilespmem:s3], [sflag:$0x7] =	stream.linear.gather [hbm4b:s0+s3], $0x1000, $0x38;
	[tilespmem:$0x1F000] =	vst v63  }
0x27: {  	_ =	swait.ge [sflag:s28], $0x1000  }
0x28: {  	[sflag:s28] =	ssyncset.done $0x0  }
0x29: {  	[sflag:s28] =	ssyncadd.s32 $0xFFFFF000  }
0x2a: {  	v4 =	vld [tilespmem:$0x0];
	_ =	sdelay $0x4  }
0x2b: {  	v5 =	vshll.u32 v4, $0x1  }
0x2c: {  	v4 =	vand.u32 $0x7, v4;
	v5 =	vand.u32 $0xFFFFFFF0, v5  }
0x2d: {  	v4 =	vor.u32 v4, v5  }
0x2e: {  	v5 =	vperm.xlane v4, v1;
	_ =	sdelay $0x1  }
0x2f: {  	v4 =	vperm.xlane v4, v3;
	v5 =	vadd.s32 v2, v5;
	_ =	sdelay $0x1  }
0x30: {  	v4 =	vadd.s32 v2, v4;
	_ =	sdelay $0x2  }
0x31: {  	[tilespmem:s25], [sflag:$0x1] =	stream.indirect_vreg.gather [hbm4b:s1+s3], $0x80, v5, vm0, $0xb8;
	[tilespmem:$0x1F000] =	vst v63  }
0x32: {  	_ = 	snop  }
0x33: {  	[tilespmem:s2], [sflag:$0x1] =	stream.indirect_vreg.gather [hbm4b:s1+s3], $0x80, v4, vm0, $0xb8;
	[tilespmem:$0x1F000] =	vst v63  }
0x34: {  	v4 =	vld [tilespmem:$0x10];
	_ =	sdelay $0x4  }
0x35: {  	v5 =	vshll.u32 v4, $0x1  }
0x36: {  	v4 =	vand.u32 $0x7, v4;
	v5 =	vand.u32 $0xFFFFFFF0, v5  }
0x37: {  	v4 =	vor.u32 v4, v5  }
0x38: {  	v5 =	vperm.xlane v4, v1;
	_ =	sdelay $0x1  }
0x39: {  	v4 =	vperm.xlane v4, v3;
	v5 =	vadd.s32 v2, v5;
	_ =	sdelay $0x1  }
0x3a: {  	v4 =	vadd.s32 v2, v4;
	_ =	sdelay $0x2  }
0x3b: {  	[tilespmem:s30], [sflag:$0x1] =	stream.indirect_vreg.gather [hbm4b:s1+s3], $0x80, v5, vm0, $0xb8;
	[tilespmem:$0x1F000] =	vst v63  }
0x3c: {  	_ = 	snop  }
0x3d: {  	[tilespmem:s31], [sflag:$0x1] =	stream.indirect_vreg.gather [hbm4b:s1+s3], $0x80, v4, vm0, $0xb8;
	[tilespmem:$0x1F000] =	vst v63  }
0x3e: {  	v4 =	vld [tilespmem:$0x20];
	_ =	sdelay $0x4  }
0x3f: {  	v5 =	vshll.u32 v4, $0x1  }
0x40: {  	v4 =	vand.u32 $0x7, v4;
	v5 =	vand.u32 $0xFFFFFFF0, v5  }
0x41: {  	v4 =	vor.u32 v4, v5  }
0x42: {  	v5 =	vperm.xlane v4, v1;
	_ =	sdelay $0x1  }
0x43: {  	v4 =	vperm.xlane v4, v3;
	v5 =	vadd.s32 v2, v5;
	_ =	sdelay $0x1  }
0x44: {  	v4 =	vadd.s32 v2, v4;
	_ =	sdelay $0x2  }
0x45: {  	[tilespmem:s13], [sflag:$0x1] =	stream.indirect_vreg.gather [hbm4b:s1+s3], $0x80, v5, vm0, $0xb8;
	[tilespmem:$0x1F000] =	vst v63  }
0x46: {  	_ = 	snop  }
0x47: {  	[tilespmem:s16], [sflag:$0x1] =	stream.indirect_vreg.gather [hbm4b:s1+s3], $0x80, v4, vm0, $0xb8;
	[tilespmem:$0x1F000] =	vst v63  }
0x48: {  	v4 =	vld [tilespmem:$0x30];
	_ =	sdelay $0x4  }
0x49: {  	v5 =	vshll.u32 v4, $0x1  }
0x4a: {  	v4 =	vand.u32 $0x7, v4;
	v5 =	vand.u32 $0xFFFFFFF0, v5  }
0x4b: {  	v4 =	vor.u32 v4, v5  }
0x4c: {  	v5 =	vperm.xlane v4, v1;
	_ =	sdelay $0x1  }
0x4d: {  	v4 =	vperm.xlane v4, v3;
	v5 =	vadd.s32 v2, v5;
	_ =	sdelay $0x1  }
0x4e: {  	v4 =	vadd.s32 v2, v4;
	_ =	sdelay $0x2  }
0x4f: {  	[tilespmem:s17], [sflag:$0x1] =	stream.indirect_vreg.gather [hbm4b:s1+s3], $0x80, v5, vm0, $0xb8;
	[tilespmem:$0x1F000] =	vst v63  }
0x50: {  	_ = 	snop  }
0x51: {  	[tilespmem:s12], [sflag:$0x1] =	stream.indirect_vreg.gather [hbm4b:s1+s3], $0x80, v4, vm0, $0xb8;
	[tilespmem:$0x1F000] =	vst v63  }
0x52: {  	v4 =	vld [tilespmem:$0x80];
	_ =	sdelay $0x4  }
0x53: {  	v5 =	vshll.u32 v4, $0x1  }
0x54: {  	v4 =	vand.u32 $0x7, v4;
	v5 =	vand.u32 $0xFFFFFFF0, v5  }
0x55: {  	v4 =	vor.u32 v4, v5  }
0x56: {  	v5 =	vperm.xlane v4, v1;
	_ =	sdelay $0x1  }
0x57: {  	v4 =	vperm.xlane v4, v3;
	v5 =	vadd.s32 v2, v5;
	_ =	sdelay $0x1  }
0x58: {  	v4 =	vadd.s32 v2, v4;
	_ =	sdelay $0x2  }
0x59: {  	[tilespmem:s15], [sflag:$0x2] =	stream.indirect_vreg.gather [hbm4b:s1+s3], $0x80, v5, vm0, $0xb8;
	[tilespmem:$0x1F000] =	vst v63  }
0x5a: {  	_ = 	snop  }
0x5b: {  	[tilespmem:s29], [sflag:$0x2] =	stream.indirect_vreg.gather [hbm4b:s1+s3], $0x80, v4, vm0, $0xb8;
	[tilespmem:$0x1F000] =	vst v63  }
0x5c: {  	v4 =	vld [tilespmem:$0x90];
	_ =	sdelay $0x4  }
0x5d: {  	v5 =	vshll.u32 v4, $0x1  }
0x5e: {  	v4 =	vand.u32 $0x7, v4;
	v5 =	vand.u32 $0xFFFFFFF0, v5  }
0x5f: {  	v4 =	vor.u32 v4, v5  }
0x60: {  	v5 =	vperm.xlane v4, v1;
	_ =	sdelay $0x1  }
0x61: {  	v4 =	vperm.xlane v4, v3;
	v5 =	vadd.s32 v2, v5;
	_ =	sdelay $0x1  }
0x62: {  	v4 =	vadd.s32 v2, v4;
	_ =	sdelay $0x2  }
0x63: {  	[tilespmem:s18], [sflag:$0x2] =	stream.indirect_vreg.gather [hbm4b:s1+s3], $0x80, v5, vm0, $0xb8;
	[tilespmem:$0x1F000] =	vst v63  }
0x64: {  	_ = 	snop  }
0x65: {  	[tilespmem:s9], [sflag:$0x2] =	stream.indirect_vreg.gather [hbm4b:s1+s3], $0x80, v4, vm0, $0xb8;
	[tilespmem:$0x1F000] =	vst v63  }
0x66: {  	v4 =	vld [tilespmem:$0xA0];
	_ =	sdelay $0x4  }
0x67: {  	v5 =	vshll.u32 v4, $0x1  }
0x68: {  	v4 =	vand.u32 $0x7, v4;
	v5 =	vand.u32 $0xFFFFFFF0, v5  }
0x69: {  	v4 =	vor.u32 v4, v5  }
0x6a: {  	v5 =	vperm.xlane v4, v1;
	_ =	sdelay $0x1  }
0x6b: {  	v4 =	vperm.xlane v4, v3;
	v5 =	vadd.s32 v2, v5;
	_ =	sdelay $0x1  }
0x6c: {  	v4 =	vadd.s32 v2, v4;
	_ =	sdelay $0x2  }
0x6d: {  	[tilespmem:s10], [sflag:$0x2] =	stream.indirect_vreg.gather [hbm4b:s1+s3], $0x80, v5, vm0, $0xb8;
	[tilespmem:$0x1F000] =	vst v63  }
0x6e: {  	_ = 	snop  }
0x6f: {  	[tilespmem:s11], [sflag:$0x2] =	stream.indirect_vreg.gather [hbm4b:s1+s3], $0x80, v4, vm0, $0xb8;
	[tilespmem:$0x1F000] =	vst v63  }
0x70: {  	v4 =	vld [tilespmem:$0xB0];
	_ =	sdelay $0x4  }
0x71: {  	v5 =	vshll.u32 v4, $0x1  }
0x72: {  	v4 =	vand.u32 $0x7, v4;
	v5 =	vand.u32 $0xFFFFFFF0, v5  }
0x73: {  	v4 =	vor.u32 v4, v5  }
0x74: {  	v5 =	vperm.xlane v4, v1;
	_ =	sdelay $0x1  }
0x75: {  	v4 =	vperm.xlane v4, v3;
	v5 =	vadd.s32 v2, v5;
	_ =	sdelay $0x1  }
0x76: {  	v4 =	vadd.s32 v2, v4;
	_ =	sdelay $0x1  }
0x77: {  	s26 =	simm.s32 $0x3200  }
0x78: {  	[tilespmem:s5], [sflag:$0x2] =	stream.indirect_vreg.gather [hbm4b:s1+s3], $0x80, v5, vm0, $0xb8;
	[tilespmem:$0x1F000] =	vst v63  }
0x79: {  	s25 =	simm.s32 $0x80;
	s30 =	sadd.s32 $0x0, s6;
	s29 =	simm.s32 $0x3000  }
0x7a: {  	[tilespmem:s19], [sflag:$0x2] =	stream.indirect_vreg.gather [hbm4b:s1+s3], $0x80, v4, vm0, $0xb8;
	[tilespmem:$0x1F000] =	vst v63  }
.LBB2_2:
0x7b: {  	[tilespmem:s29], [sflag:$0x7] =	stream.linear.gather [hbm4b:s30+s3], $0x80, $0x38;
	[tilespmem:$0x1F000] =	vst v63  }
0x7c: {  	s0 =	smov.u32 s25;
	s29 =	smov.u32 s26;
	p0 =	sne.s32 s25, $0x3F80  }
.Ltmp0:
0x7d: {  	s25 =	sadd.s32 $0x80, s25;
	(pc) =	sbr.rel @p0 .LBB2_2-.Ltmp0, $2  }
0x7e: {  	_ =	sdelay $0x2  }
0x7f: {  	s26 =	sadd.s32 $0x200, s26;
	s30 =	sadd.s32 s0, s6  }
0x80: {  	[tilespmem:s29], [sflag:$0x7] =	stream.linear.gather [hbm4b:s30+s3], $0x80, $0x38;
	[tilespmem:$0x1F000] =	vst v63  }
0x81: {  	s25 =	simm.s32 $0x3080  }
0x82: {  	s26 =	simm.s32 $0x80;
	s2 =	sadd.s32 $0x0, s7;
	s29 =	simm.s32 $0x3280  }
0x83: {  	s9 =	simm.s32 $0x1B000;
	s10 =	simm.s32 $0x1C800;
	_ =	swait.ge [sflag:s28], $0x4000  }
0x84: {  	s11 =	simm.s32 $0x1D000;
	s12 =	simm.s32 $0x1D800;
	[sflag:s28] =	ssyncset.done $0x0  }
0x85: {  	s13 =	simm.s32 $0x1E800;
	s16 =	simm.s32 $0x3;
	[sflag:s28] =	ssyncadd.s32 $0xFFFFC000  }
.LBB2_4:
0x86: {  	[tilespmem:s25], [sflag:$0x7] =	stream.linear.gather [hbm4b:s2+s3], $0x80, $0x38;
	[tilespmem:$0x1F000] =	vst v63  }
0x87: {  	s0 =	smov.u32 s26;
	s25 =	smov.u32 s29;
	p0 =	sne.s32 s26, $0x3F80  }
.Ltmp1:
0x88: {  	s26 =	sadd.s32 $0x80, s26;
	(pc) =	sbr.rel @p0 .LBB2_4-.Ltmp1, $2  }
0x89: {  	_ =	sdelay $0x2  }
0x8a: {  	s29 =	sadd.s32 $0x200, s29;
	s2 =	sadd.s32 s0, s7  }
0x8b: {  	[tilespmem:s25], [sflag:$0x7] =	stream.linear.gather [hbm4b:s2+s3], $0x80, $0x38;
	[tilespmem:$0x1F000] =	vst v63  }
0x8c: {  	_ =	swait.ge [sflag:s28], $0x4000  }
0x8d: {  	s25 =	simm.s32 $0x3100;
	s26 =	simm.s32 $0x80;
	[sflag:s28] =	ssyncset.done $0x0  }
0x8e: {  	s2 =	sadd.s32 $0x0, s8;
	s29 =	simm.s32 $0x3300;
	[sflag:s28] =	ssyncadd.s32 $0xFFFFC000  }
.LBB2_6:
0x8f: {  	[tilespmem:s25], [sflag:$0x7] =	stream.linear.gather [hbm4b:s2+s3], $0x80, $0x38;
	[tilespmem:$0x1F000] =	vst v63  }
0x90: {  	s0 =	smov.u32 s26;
	s25 =	smov.u32 s29;
	p0 =	sne.s32 s26, $0x3F80  }
.Ltmp2:
0x91: {  	s26 =	sadd.s32 $0x80, s26;
	(pc) =	sbr.rel @p0 .LBB2_6-.Ltmp2, $2  }
0x92: {  	_ =	sdelay $0x2  }
0x93: {  	s29 =	sadd.s32 $0x200, s29;
	s2 =	sadd.s32 s0, s8  }
0x94: {  	[tilespmem:s25], [sflag:$0x7] =	stream.linear.gather [hbm4b:s2+s3], $0x80, $0x38;
	[tilespmem:$0x1F000] =	vst v63  }
0x95: {  	s25 =	simm.s32 $0x0;
	_ =	swait.ge [sflag:s28], $0x4000  }
0x96: {  	s0 =	sand.u32 $0x30, s25;
	s19 =	sand.u32 $0xF80, s25;
	[sflag:s28] =	ssyncset.done $0x0  }
0x97: {  	s0 =	sor.u32 s0, s19;
	[sflag:s28] =	ssyncadd.s32 $0xFFFFC000  }
0x98: {  	v4 =	vld [tilespmem:s0+$0x0];
	_ =	sdelay $0x4  }
0x99: {  	v5 =	vsub.s32 v4, v0  }
0x9a: {  	v5 =	vshll.u32 v5, $0x2  }
0x9b: {  	v4 =	vand.u32 $0x7F, v4;
	v5 =	vand.u32 $0xFFFFFE00, v5  }
0x9c: {  	v4 =	vor.u32 v4, v5;
	_ =	sdelay $0x4  }
0x9d: {  	v5 =	vld.idx.msk [tilespmem:v4+s14+$0x0], $0xffff  }
0x9e: {  	v6 =	vor.u32 $0x80, v4;
	_ =	sdelay $0x1  }
0x9f: {  	s26 =	sand.u32 $0x70, s25;
	s28 =	sand.u32 $0x1E00, s25  }
0xa0: {  	s30 =	sor.u32 s26, s28  }
0xa1: {  	[tilespmem:s30+$0x1000] =	vst v5  }
0xa2: {  	v5 =	vld.idx.msk [tilespmem:v6+s14+$0x0], $0xffff  }
0xa3: {  	v4 =	vor.u32 $0x100, v4;
	_ =	sdelay $0x3  }
0xa4: {  	[tilespmem:s30+$0x1080] =	vst v5  }
0xa5: {  	v4 =	vld.idx.msk [tilespmem:v4+s14+$0x0], $0xffff;
	_ =	sdelay $0x1  }
0xa6: {  	s29 =	simm.s32 $0x20;
	s26 =	simm.s32 $0x10  }
0xa7: {  	s31 =	simm.s32 $0x20;
	s0 =	sand.u32 $0xF80, s29;
	s2 =	sand.u32 $0x30, s26  }
.LBB2_8:
0xa8: {  	s0 =	sor.u32 s2, s0  }
0xa9: {  	[tilespmem:s30+$0x1100] =	vst v4;
	s25 =	sadd.s32 $0x40, s25;
	s2 =	smov.u32 s31;
	s5 =	sadd.s32 $0x10, s31  }
0xaa: {  	p0 =	sne.s32 s31, $0x7F0;
	v4 =	vld [tilespmem:s0+$0x0];
	_ =	sdelay $0x4  }
0xab: {  	v5 =	vsub.s32 v4, v0;
	v4 =	vand.u32 $0x7F, v4  }
0xac: {  	v5 =	vshll.u32 v5, $0x2  }
0xad: {  	v5 =	vand.u32 $0xFFFFFE00, v5  }
0xae: {  	v4 =	vor.u32 v4, v5  }
0xaf: {  	v5 =	vor.u32 $0x80, v4;
	_ =	sdelay $0x3  }
0xb0: {  	v6 =	vld.idx.msk [tilespmem:v4+s14+$0x0], $0xffff;
	_ =	sdelay $0x3  }
0xb1: {  	s0 =	sand.u32 $0x70, s26;
	s30 =	sand.u32 $0x1E00, s25;
	s26 =	smov.u32 s2  }
0xb2: {  	s30 =	sor.u32 s0, s30  }
0xb3: {  	[tilespmem:s30+$0x1000] =	vst v6  }
0xb4: {  	v5 =	vld.idx.msk [tilespmem:v5+s14+$0x0], $0xffff;
	_ =	sdelay $0x1  }
0xb5: {  	v4 =	vor.u32 $0x100, v4;
	_ =	sdelay $0x3  }
0xb6: {  	[tilespmem:s30+$0x1080] =	vst v5  }
0xb7: {  	v4 =	vld.idx.msk [tilespmem:v4+s14+$0x0], $0xffff  }
.Ltmp3:
0xb8: {  	(pc) =	sbr.rel @p0 .LBB2_8-.Ltmp3, $3  }
0xb9: {  	_ =	sdelay $0x1  }
0xba: {  	s29 =	sadd.s32 $0x20, s29  }
0xbb: {  	s31 =	smov.u32 s5;
	s2 =	sand.u32 $0x30, s26;
	s0 =	sand.u32 $0xF80, s29  }
0xbc: {  	s0 =	sor.u32 s2, s0;
	[tilespmem:s30+$0x1100] =	vst v4  }
0xbd: {  	v4 =	vld [tilespmem:s0+$0x0];
	_ =	sdelay $0x4  }
0xbe: {  	v5 =	vsub.s32 v4, v0  }
0xbf: {  	v5 =	vshll.u32 v5, $0x2  }
0xc0: {  	v4 =	vand.u32 $0x7F, v4;
	v5 =	vand.u32 $0xFFFFFE00, v5  }
0xc1: {  	v4 =	vor.u32 v4, v5;
	_ =	sdelay $0x4  }
0xc2: {  	v5 =	vld.idx.msk [tilespmem:v4+s14+$0x0], $0xffff  }
0xc3: {  	v6 =	vor.u32 $0x80, v4  }
0xc4: {  	s15 =	sadd.s32 $0x40, s25  }
0xc5: {  	s17 =	sand.u32 $0x70, s26;
	s0 =	sand.u32 $0x1E00, s15  }
0xc6: {  	s0 =	sor.u32 s17, s0  }
0xc7: {  	[tilespmem:s0+$0x1000] =	vst v5  }
0xc8: {  	v5 =	vld.idx.msk [tilespmem:v6+s14+$0x0], $0xffff  }
0xc9: {  	v4 =	vor.u32 $0x100, v4;
	_ =	sdelay $0x3  }
0xca: {  	[tilespmem:s0+$0x1080] =	vst v5  }
0xcb: {  	v4 =	vld.idx.msk [tilespmem:v4+s14+$0x0], $0xffff;
	_ =	sdelay $0x4  }
0xcc: {  	s25 =	simm.s32 $0x0;
	s2 =	rddreg [dreg:$0x8];
	s18 =	simm.s32 $0x1000;
	[tilespmem:s0+$0x1100] =	vst v4  }
0xcd: {  	[hbm4b:s2+s25] =	stream.linear.scatter [tilespmem:s18], [sflag:$0x7], $0x80, $0x38;
	[tilespmem:$0x1F000] =	vst v63  }
0xce: {  	s5 =	simm.s32 $0x1200;
	s19 =	sadd.s32 $0x80, s2  }
0xcf: {  	[hbm4b:s19+s25] =	stream.linear.scatter [tilespmem:s5], [sflag:$0x7], $0x80, $0x38;
	[tilespmem:$0x1F000] =	vst v63  }
0xd0: {  	s29 =	simm.s32 $0x1400;
	s26 =	sadd.s32 $0x100, s2  }
0xd1: {  	[hbm4b:s26+s25] =	stream.linear.scatter [tilespmem:s29], [sflag:$0x7], $0x80, $0x38;
	[tilespmem:$0x1F000] =	vst v63  }
0xd2: {  	s15 =	sadd.s32 $0x180, s2;
	s17 =	simm.s32 $0x1600  }
0xd3: {  	[hbm4b:s15+s25] =	stream.linear.scatter [tilespmem:s17], [sflag:$0x7], $0x80, $0x38;
	[tilespmem:$0x1F000] =	vst v63  }
0xd4: {  	s18 =	sadd.s32 $0x200, s2;
	s19 =	simm.s32 $0x1800  }
0xd5: {  	[hbm4b:s18+s25] =	stream.linear.scatter [tilespmem:s19], [sflag:$0x7], $0x80, $0x38;
	[tilespmem:$0x1F000] =	vst v63  }
0xd6: {  	s26 =	sadd.s32 $0x280, s2;
	s29 =	simm.s32 $0x1A00  }
0xd7: {  	[hbm4b:s26+s25] =	stream.linear.scatter [tilespmem:s29], [sflag:$0x7], $0x80, $0x38;
	[tilespmem:$0x1F000] =	vst v63  }
0xd8: {  	s15 =	sadd.s32 $0x300, s2;
	s17 =	simm.s32 $0x1C00  }
0xd9: {  	[hbm4b:s15+s25] =	stream.linear.scatter [tilespmem:s17], [sflag:$0x7], $0x80, $0x38;
	[tilespmem:$0x1F000] =	vst v63  }
0xda: {  	s18 =	sadd.s32 $0x380, s2;
	s19 =	simm.s32 $0x1E00  }
0xdb: {  	[hbm4b:s18+s25] =	stream.linear.scatter [tilespmem:s19], [sflag:$0x7], $0x80, $0x38;
	[tilespmem:$0x1F000] =	vst v63  }
0xdc: {  	s26 =	sadd.s32 $0x400, s2;
	s29 =	simm.s32 $0x2000  }
0xdd: {  	[hbm4b:s26+s25] =	stream.linear.scatter [tilespmem:s29], [sflag:$0x7], $0x80, $0x38;
	[tilespmem:$0x1F000] =	vst v63  }
0xde: {  	s15 =	sadd.s32 $0x480, s2;
	s17 =	simm.s32 $0x2200  }
0xdf: {  	[hbm4b:s15+s25] =	stream.linear.scatter [tilespmem:s17], [sflag:$0x7], $0x80, $0x38;
	[tilespmem:$0x1F000] =	vst v63  }
0xe0: {  	s18 =	sadd.s32 $0x500, s2;
	s19 =	simm.s32 $0x2400  }
0xe1: {  	[hbm4b:s18+s25] =	stream.linear.scatter [tilespmem:s19], [sflag:$0x7], $0x80, $0x38;
	[tilespmem:$0x1F000] =	vst v63  }
0xe2: {  	s26 =	sadd.s32 $0x580, s2;
	s29 =	simm.s32 $0x2600  }
0xe3: {  	[hbm4b:s26+s25] =	stream.linear.scatter [tilespmem:s29], [sflag:$0x7], $0x80, $0x38;
	[tilespmem:$0x1F000] =	vst v63  }
0xe4: {  	s15 =	sadd.s32 $0x600, s2;
	s17 =	simm.s32 $0x2800  }
0xe5: {  	[hbm4b:s15+s25] =	stream.linear.scatter [tilespmem:s17], [sflag:$0x7], $0x80, $0x38;
	[tilespmem:$0x1F000] =	vst v63  }
0xe6: {  	s18 =	sadd.s32 $0x680, s2;
	s19 =	simm.s32 $0x2A00  }
0xe7: {  	[hbm4b:s18+s25] =	stream.linear.scatter [tilespmem:s19], [sflag:$0x7], $0x80, $0x38;
	[tilespmem:$0x1F000] =	vst v63  }
0xe8: {  	s26 =	sadd.s32 $0x700, s2;
	s29 =	simm.s32 $0x2C00  }
0xe9: {  	[hbm4b:s26+s25] =	stream.linear.scatter [tilespmem:s29], [sflag:$0x7], $0x80, $0x38;
	[tilespmem:$0x1F000] =	vst v63  }
0xea: {  	s5 =	sadd.s32 $0x780, s2;
	s15 =	simm.s32 $0x2E00  }
0xeb: {  	[hbm4b:s5+s25] =	stream.linear.scatter [tilespmem:s15], [sflag:$0x7], $0x80, $0x38;
	[tilespmem:$0x1F000] =	vst v63  }
0xec: {  	s15 =	simm.s32 $0x7  }
0xed: {  	_ =	swait.ge [sflag:s15], $0x800  }
0xee: {  	[sflag:s15] =	ssyncset.done $0x0  }
0xef: {  	s17 =	simm.s32 $0x1080;
	s2 =	rddreg [dreg:$0x9];
	[sflag:s15] =	ssyncadd.s32 $0xFFFFF800  }
0xf0: {  	[hbm4b:s2+s25] =	stream.linear.scatter [tilespmem:s17], [sflag:$0x7], $0x80, $0x38;
	[tilespmem:$0x1F000] =	vst v63  }
0xf1: {  	s19 =	simm.s32 $0x1280;
	s18 =	sadd.s32 $0x80, s2  }
0xf2: {  	[hbm4b:s18+s25] =	stream.linear.scatter [tilespmem:s19], [sflag:$0x7], $0x80, $0x38;
	[tilespmem:$0x1F000] =	vst v63  }
0xf3: {  	s29 =	simm.s32 $0x1480;
	s26 =	sadd.s32 $0x100, s2  }
0xf4: {  	[hbm4b:s26+s25] =	stream.linear.scatter [tilespmem:s29], [sflag:$0x7], $0x80, $0x38;
	[tilespmem:$0x1F000] =	vst v63  }
0xf5: {  	s5 =	sadd.s32 $0x180, s2;
	s17 =	simm.s32 $0x1680  }
0xf6: {  	[hbm4b:s5+s25] =	stream.linear.scatter [tilespmem:s17], [sflag:$0x7], $0x80, $0x38;
	[tilespmem:$0x1F000] =	vst v63  }
0xf7: {  	s18 =	sadd.s32 $0x200, s2;
	s19 =	simm.s32 $0x1880  }
0xf8: {  	[hbm4b:s18+s25] =	stream.linear.scatter [tilespmem:s19], [sflag:$0x7], $0x80, $0x38;
	[tilespmem:$0x1F000] =	vst v63  }
0xf9: {  	s26 =	sadd.s32 $0x280, s2;
	s29 =	simm.s32 $0x1A80  }
0xfa: {  	[hbm4b:s26+s25] =	stream.linear.scatter [tilespmem:s29], [sflag:$0x7], $0x80, $0x38;
	[tilespmem:$0x1F000] =	vst v63  }
0xfb: {  	s5 =	sadd.s32 $0x300, s2;
	s17 =	simm.s32 $0x1C80  }
0xfc: {  	[hbm4b:s5+s25] =	stream.linear.scatter [tilespmem:s17], [sflag:$0x7], $0x80, $0x38;
	[tilespmem:$0x1F000] =	vst v63  }
0xfd: {  	s18 =	sadd.s32 $0x380, s2;
	s19 =	simm.s32 $0x1E80  }
0xfe: {  	[hbm4b:s18+s25] =	stream.linear.scatter [tilespmem:s19], [sflag:$0x7], $0x80, $0x38;
	[tilespmem:$0x1F000] =	vst v63  }
0xff: {  	s26 =	sadd.s32 $0x400, s2;
	s29 =	simm.s32 $0x2080  }
0x100: {  	[hbm4b:s26+s25] =	stream.linear.scatter [tilespmem:s29], [sflag:$0x7], $0x80, $0x38;
	[tilespmem:$0x1F000] =	vst v63  }
0x101: {  	s5 =	sadd.s32 $0x480, s2;
	s17 =	simm.s32 $0x2280  }
0x102: {  	[hbm4b:s5+s25] =	stream.linear.scatter [tilespmem:s17], [sflag:$0x7], $0x80, $0x38;
	[tilespmem:$0x1F000] =	vst v63  }
0x103: {  	s18 =	sadd.s32 $0x500, s2;
	s19 =	simm.s32 $0x2480  }
0x104: {  	[hbm4b:s18+s25] =	stream.linear.scatter [tilespmem:s19], [sflag:$0x7], $0x80, $0x38;
	[tilespmem:$0x1F000] =	vst v63  }
0x105: {  	s26 =	sadd.s32 $0x580, s2;
	s29 =	simm.s32 $0x2680  }
0x106: {  	[hbm4b:s26+s25] =	stream.linear.scatter [tilespmem:s29], [sflag:$0x7], $0x80, $0x38;
	[tilespmem:$0x1F000] =	vst v63  }
0x107: {  	s5 =	sadd.s32 $0x600, s2;
	s17 =	simm.s32 $0x2880  }
0x108: {  	[hbm4b:s5+s25] =	stream.linear.scatter [tilespmem:s17], [sflag:$0x7], $0x80, $0x38;
	[tilespmem:$0x1F000] =	vst v63  }
0x109: {  	s18 =	sadd.s32 $0x680, s2;
	s19 =	simm.s32 $0x2A80  }
0x10a: {  	[hbm4b:s18+s25] =	stream.linear.scatter [tilespmem:s19], [sflag:$0x7], $0x80, $0x38;
	[tilespmem:$0x1F000] =	vst v63  }
0x10b: {  	s26 =	sadd.s32 $0x700, s2;
	s29 =	simm.s32 $0x2C80  }
0x10c: {  	[hbm4b:s26+s25] =	stream.linear.scatter [tilespmem:s29], [sflag:$0x7], $0x80, $0x38;
	[tilespmem:$0x1F000] =	vst v63  }
0x10d: {  	s2 =	sadd.s32 $0x780, s2;
	s5 =	simm.s32 $0x2E80  }
0x10e: {  	[hbm4b:s2+s25] =	stream.linear.scatter [tilespmem:s5], [sflag:$0x7], $0x80, $0x38;
	[tilespmem:$0x1F000] =	vst v63  }
0x10f: {  	_ =	swait.ge [sflag:s15], $0x800  }
0x110: {  	[sflag:s15] =	ssyncset.done $0x0  }
0x111: {  	s17 =	simm.s32 $0x1100;
	s2 =	rddreg [dreg:$0xa];
	[sflag:s15] =	ssyncadd.s32 $0xFFFFF800  }
0x112: {  	[hbm4b:s2+s25] =	stream.linear.scatter [tilespmem:s17], [sflag:$0x7], $0x80, $0x38;
	[tilespmem:$0x1F000] =	vst v63  }
0x113: {  	s19 =	simm.s32 $0x1300;
	s18 =	sadd.s32 $0x80, s2  }
0x114: {  	[hbm4b:s18+s25] =	stream.linear.scatter [tilespmem:s19], [sflag:$0x7], $0x80, $0x38;
	[tilespmem:$0x1F000] =	vst v63  }
0x115: {  	s29 =	simm.s32 $0x1500;
	s26 =	sadd.s32 $0x100, s2  }
0x116: {  	[hbm4b:s26+s25] =	stream.linear.scatter [tilespmem:s29], [sflag:$0x7], $0x80, $0x38;
	[tilespmem:$0x1F000] =	vst v63  }
0x117: {  	s5 =	sadd.s32 $0x180, s2;
	s17 =	simm.s32 $0x1700  }
0x118: {  	[hbm4b:s5+s25] =	stream.linear.scatter [tilespmem:s17], [sflag:$0x7], $0x80, $0x38;
	[tilespmem:$0x1F000] =	vst v63  }
0x119: {  	s18 =	sadd.s32 $0x200, s2;
	s19 =	simm.s32 $0x1900  }
0x11a: {  	[hbm4b:s18+s25] =	stream.linear.scatter [tilespmem:s19], [sflag:$0x7], $0x80, $0x38;
	[tilespmem:$0x1F000] =	vst v63  }
0x11b: {  	s26 =	sadd.s32 $0x280, s2;
	s29 =	simm.s32 $0x1B00  }
0x11c: {  	[hbm4b:s26+s25] =	stream.linear.scatter [tilespmem:s29], [sflag:$0x7], $0x80, $0x38;
	[tilespmem:$0x1F000] =	vst v63  }
0x11d: {  	s5 =	sadd.s32 $0x300, s2;
	s17 =	simm.s32 $0x1D00  }
0x11e: {  	[hbm4b:s5+s25] =	stream.linear.scatter [tilespmem:s17], [sflag:$0x7], $0x80, $0x38;
	[tilespmem:$0x1F000] =	vst v63  }
0x11f: {  	s18 =	sadd.s32 $0x380, s2;
	s19 =	simm.s32 $0x1F00  }
0x120: {  	[hbm4b:s18+s25] =	stream.linear.scatter [tilespmem:s19], [sflag:$0x7], $0x80, $0x38;
	[tilespmem:$0x1F000] =	vst v63  }
0x121: {  	s26 =	sadd.s32 $0x400, s2;
	s29 =	simm.s32 $0x2100  }
0x122: {  	[hbm4b:s26+s25] =	stream.linear.scatter [tilespmem:s29], [sflag:$0x7], $0x80, $0x38;
	[tilespmem:$0x1F000] =	vst v63  }
0x123: {  	s5 =	sadd.s32 $0x480, s2;
	s17 =	simm.s32 $0x2300  }
0x124: {  	[hbm4b:s5+s25] =	stream.linear.scatter [tilespmem:s17], [sflag:$0x7], $0x80, $0x38;
	[tilespmem:$0x1F000] =	vst v63  }
0x125: {  	s18 =	sadd.s32 $0x500, s2;
	s19 =	simm.s32 $0x2500  }
0x126: {  	[hbm4b:s18+s25] =	stream.linear.scatter [tilespmem:s19], [sflag:$0x7], $0x80, $0x38;
	[tilespmem:$0x1F000] =	vst v63  }
0x127: {  	s26 =	sadd.s32 $0x580, s2;
	s29 =	simm.s32 $0x2700  }
0x128: {  	[hbm4b:s26+s25] =	stream.linear.scatter [tilespmem:s29], [sflag:$0x7], $0x80, $0x38;
	[tilespmem:$0x1F000] =	vst v63  }
0x129: {  	s5 =	sadd.s32 $0x600, s2;
	s17 =	simm.s32 $0x2900  }
0x12a: {  	[hbm4b:s5+s25] =	stream.linear.scatter [tilespmem:s17], [sflag:$0x7], $0x80, $0x38;
	[tilespmem:$0x1F000] =	vst v63  }
0x12b: {  	s18 =	sadd.s32 $0x680, s2;
	s19 =	simm.s32 $0x2B00  }
0x12c: {  	[hbm4b:s18+s25] =	stream.linear.scatter [tilespmem:s19], [sflag:$0x7], $0x80, $0x38;
	[tilespmem:$0x1F000] =	vst v63  }
0x12d: {  	s26 =	sadd.s32 $0x700, s2;
	s29 =	simm.s32 $0x2D00  }
0x12e: {  	[hbm4b:s26+s25] =	stream.linear.scatter [tilespmem:s29], [sflag:$0x7], $0x80, $0x38;
	[tilespmem:$0x1F000] =	vst v63  }
0x12f: {  	s17 =	sadd.s32 $0x780, s2;
	s18 =	simm.s32 $0x2F00  }
0x130: {  	[hbm4b:s17+s25] =	stream.linear.scatter [tilespmem:s18], [sflag:$0x7], $0x80, $0x38;
	[tilespmem:$0x1F000] =	vst v63  }
0x131: {  	_ =	swait.ge [sflag:s15], $0x800  }
0x132: {  	[sflag:s15] =	ssyncset.done $0x0  }
0x133: {  	[sflag:s15] =	ssyncadd.s32 $0xFFFFF800  }
0x134: {  	_ =	swait.ge [sflag:s4], $0x4000  }
0x135: {  	[sflag:s4] =	ssyncset.done $0x0  }
0x136: {  	s28 =	simm.s32 $0x13000;
	s19 =	rddreg [dreg:$0xb];
	[sflag:s4] =	ssyncadd.s32 $0xFFFFC000  }
0x137: {  	[hbm4b:s19+s25] =	stream.linear.scatter [tilespmem:s28], [sflag:$0x4], $0x4000, $0x38;
	[tilespmem:$0x1F000] =	vst v63  }
0x138: {  	v4 =	vld [tilespmem:$0x100];
	_ =	sdelay $0x4  }
0x139: {  	v5 =	vshll.u32 v4, $0x1  }
0x13a: {  	v4 =	vand.u32 $0x7, v4;
	v5 =	vand.u32 $0xFFFFFFF0, v5  }
0x13b: {  	v4 =	vor.u32 v4, v5  }
0x13c: {  	v5 =	vperm.xlane v4, v1;
	_ =	sdelay $0x1  }
0x13d: {  	v4 =	vperm.xlane v4, v3;
	v5 =	vadd.s32 v2, v5;
	_ =	sdelay $0x1  }
0x13e: {  	v4 =	vadd.s32 v2, v4;
	_ =	sdelay $0x2  }
0x13f: {  	[tilespmem:s9], [sflag:$0x3] =	stream.indirect_vreg.gather [hbm4b:s1+s25], $0x80, v5, vm0, $0xb8;
	[tilespmem:$0x1F000] =	vst v63  }
0x140: {  	_ = 	snop  }
0x141: {  	[tilespmem:s22], [sflag:$0x3] =	stream.indirect_vreg.gather [hbm4b:s1+s25], $0x80, v4, vm0, $0xb8;
	[tilespmem:$0x1F000] =	vst v63  }
0x142: {  	v4 =	vld [tilespmem:$0x110];
	_ =	sdelay $0x4  }
0x143: {  	v5 =	vshll.u32 v4, $0x1  }
0x144: {  	v4 =	vand.u32 $0x7, v4;
	v5 =	vand.u32 $0xFFFFFFF0, v5  }
0x145: {  	v4 =	vor.u32 v4, v5  }
0x146: {  	v5 =	vperm.xlane v4, v1;
	_ =	sdelay $0x1  }
0x147: {  	v4 =	vperm.xlane v4, v3;
	v5 =	vadd.s32 v2, v5;
	_ =	sdelay $0x1  }
0x148: {  	v4 =	vadd.s32 v2, v4;
	_ =	sdelay $0x2  }
0x149: {  	[tilespmem:s24], [sflag:$0x3] =	stream.indirect_vreg.gather [hbm4b:s1+s25], $0x80, v5, vm0, $0xb8;
	[tilespmem:$0x1F000] =	vst v63  }
0x14a: {  	_ = 	snop  }
0x14b: {  	[tilespmem:s10], [sflag:$0x3] =	stream.indirect_vreg.gather [hbm4b:s1+s25], $0x80, v4, vm0, $0xb8;
	[tilespmem:$0x1F000] =	vst v63  }
0x14c: {  	v4 =	vld [tilespmem:$0x120];
	_ =	sdelay $0x4  }
0x14d: {  	v5 =	vshll.u32 v4, $0x1  }
0x14e: {  	v4 =	vand.u32 $0x7, v4;
	v5 =	vand.u32 $0xFFFFFFF0, v5  }
0x14f: {  	v4 =	vor.u32 v4, v5  }
0x150: {  	v5 =	vperm.xlane v4, v1;
	_ =	sdelay $0x1  }
0x151: {  	v4 =	vperm.xlane v4, v3;
	v5 =	vadd.s32 v2, v5;
	_ =	sdelay $0x1  }
0x152: {  	v4 =	vadd.s32 v2, v4;
	_ =	sdelay $0x2  }
0x153: {  	[tilespmem:s11], [sflag:$0x3] =	stream.indirect_vreg.gather [hbm4b:s1+s25], $0x80, v5, vm0, $0xb8;
	[tilespmem:$0x1F000] =	vst v63  }
0x154: {  	_ = 	snop  }
0x155: {  	[tilespmem:s12], [sflag:$0x3] =	stream.indirect_vreg.gather [hbm4b:s1+s25], $0x80, v4, vm0, $0xb8;
	[tilespmem:$0x1F000] =	vst v63  }
0x156: {  	v4 =	vld [tilespmem:$0x130];
	_ =	sdelay $0x4  }
0x157: {  	v5 =	vshll.u32 v4, $0x1  }
0x158: {  	v4 =	vand.u32 $0x7, v4;
	v5 =	vand.u32 $0xFFFFFFF0, v5  }
0x159: {  	v4 =	vor.u32 v4, v5  }
0x15a: {  	v5 =	vperm.xlane v4, v1;
	_ =	sdelay $0x1  }
0x15b: {  	v4 =	vperm.xlane v4, v3;
	v5 =	vadd.s32 v2, v5;
	_ =	sdelay $0x1  }
0x15c: {  	v4 =	vadd.s32 v2, v4;
	_ =	sdelay $0x2  }
0x15d: {  	[tilespmem:s21], [sflag:$0x3] =	stream.indirect_vreg.gather [hbm4b:s1+s25], $0x80, v5, vm0, $0xb8;
	[tilespmem:$0x1F000] =	vst v63  }
0x15e: {  	_ = 	snop  }
0x15f: {  	[tilespmem:s13], [sflag:$0x3] =	stream.indirect_vreg.gather [hbm4b:s1+s25], $0x80, v4, vm0, $0xb8;
	[tilespmem:$0x1F000] =	vst v63  }
0x160: {  	_ =	swait.ge [sflag:s20], $0x4000  }
0x161: {  	[sflag:s20] =	ssyncset.done $0x0  }
0x162: {  	s15 =	simm.s32 $0x17000;
	[sflag:s20] =	ssyncadd.s32 $0xFFFFC000;
	s20 =	rddreg [dreg:$0xc]  }
0x163: {  	[hbm4b:s20+s25] =	stream.linear.scatter [tilespmem:s15], [sflag:$0x5], $0x4000, $0x38;
	[tilespmem:$0x1F000] =	vst v63  }
0x164: {  	_ =	swait.ge [sflag:s23], $0x4000  }
0x165: {  	[sflag:s23] =	ssyncset.done $0x0  }
0x166: {  	[sflag:s23] =	ssyncadd.s32 $0xFFFFC000  }
0x167: {  	v4 =	vld [tilespmem:$0x180];
	_ =	sdelay $0x4  }
0x168: {  	v5 =	vshll.u32 v4, $0x1  }
0x169: {  	v4 =	vand.u32 $0x7, v4;
	v5 =	vand.u32 $0xFFFFFFF0, v5  }
0x16a: {  	v4 =	vor.u32 v4, v5  }
0x16b: {  	v5 =	vperm.xlane v4, v1;
	_ =	sdelay $0x1  }
0x16c: {  	v4 =	vperm.xlane v4, v3;
	v5 =	vadd.s32 v2, v5;
	_ =	sdelay $0x1  }
0x16d: {  	v4 =	vadd.s32 v2, v4;
	_ =	sdelay $0x2  }
0x16e: {  	[tilespmem:s28], [sflag:$0x1] =	stream.indirect_vreg.gather [hbm4b:s1+s25], $0x80, v5, vm0, $0xb8;
	[tilespmem:$0x1F000] =	vst v63  }
0x16f: {  	s2 =	simm.s32 $0x13800  }
0x170: {  	[tilespmem:s2], [sflag:$0x1] =	stream.indirect_vreg.gather [hbm4b:s1+s25], $0x80, v4, vm0, $0xb8;
	[tilespmem:$0x1F000] =	vst v63  }
0x171: {  	v4 =	vld [tilespmem:$0x190];
	_ =	sdelay $0x4  }
0x172: {  	v5 =	vshll.u32 v4, $0x1  }
0x173: {  	v4 =	vand.u32 $0x7, v4;
	v5 =	vand.u32 $0xFFFFFFF0, v5  }
0x174: {  	v4 =	vor.u32 v4, v5  }
0x175: {  	v5 =	vperm.xlane v4, v1;
	_ =	sdelay $0x1  }
0x176: {  	v4 =	vperm.xlane v4, v3;
	v5 =	vadd.s32 v2, v5;
	_ =	sdelay $0x1  }
0x177: {  	v4 =	vadd.s32 v2, v4;
	_ =	sdelay $0x1  }
0x178: {  	s30 =	simm.s32 $0x14000  }
0x179: {  	[tilespmem:s30], [sflag:$0x1] =	stream.indirect_vreg.gather [hbm4b:s1+s25], $0x80, v5, vm0, $0xb8;
	[tilespmem:$0x1F000] =	vst v63  }
0x17a: {  	s31 =	simm.s32 $0x14800  }
0x17b: {  	[tilespmem:s31], [sflag:$0x1] =	stream.indirect_vreg.gather [hbm4b:s1+s25], $0x80, v4, vm0, $0xb8;
	[tilespmem:$0x1F000] =	vst v63  }
0x17c: {  	v4 =	vld [tilespmem:$0x1A0];
	_ =	sdelay $0x4  }
0x17d: {  	v5 =	vshll.u32 v4, $0x1  }
0x17e: {  	v4 =	vand.u32 $0x7, v4;
	v5 =	vand.u32 $0xFFFFFFF0, v5  }
0x17f: {  	v4 =	vor.u32 v4, v5  }
0x180: {  	v5 =	vperm.xlane v4, v1;
	_ =	sdelay $0x1  }
0x181: {  	v4 =	vperm.xlane v4, v3;
	v5 =	vadd.s32 v2, v5;
	_ =	sdelay $0x1  }
0x182: {  	v4 =	vadd.s32 v2, v4;
	_ =	sdelay $0x1  }
0x183: {  	s21 =	simm.s32 $0x15000  }
0x184: {  	[tilespmem:s21], [sflag:$0x1] =	stream.indirect_vreg.gather [hbm4b:s1+s25], $0x80, v5, vm0, $0xb8;
	[tilespmem:$0x1F000] =	vst v63  }
0x185: {  	s22 =	simm.s32 $0x15800  }
0x186: {  	[tilespmem:s22], [sflag:$0x1] =	stream.indirect_vreg.gather [hbm4b:s1+s25], $0x80, v4, vm0, $0xb8;
	[tilespmem:$0x1F000] =	vst v63  }
0x187: {  	v4 =	vld [tilespmem:$0x1B0];
	_ =	sdelay $0x4  }
0x188: {  	v5 =	vshll.u32 v4, $0x1  }
0x189: {  	v4 =	vand.u32 $0x7, v4;
	v5 =	vand.u32 $0xFFFFFFF0, v5  }
0x18a: {  	v4 =	vor.u32 v4, v5  }
0x18b: {  	v5 =	vperm.xlane v4, v1;
	_ =	sdelay $0x1  }
0x18c: {  	v4 =	vperm.xlane v4, v3;
	v5 =	vadd.s32 v2, v5;
	_ =	sdelay $0x1  }
0x18d: {  	v4 =	vadd.s32 v2, v4;
	_ =	sdelay $0x1  }
0x18e: {  	s23 =	simm.s32 $0x16000  }
0x18f: {  	[tilespmem:s23], [sflag:$0x1] =	stream.indirect_vreg.gather [hbm4b:s1+s25], $0x80, v5, vm0, $0xb8;
	[tilespmem:$0x1F000] =	vst v63  }
0x190: {  	s24 =	simm.s32 $0x16800  }
0x191: {  	[tilespmem:s24], [sflag:$0x1] =	stream.indirect_vreg.gather [hbm4b:s1+s25], $0x80, v4, vm0, $0xb8;
	[tilespmem:$0x1F000] =	vst v63  }
0x192: {  	_ =	swait.ge [sflag:s16], $0x4000  }
0x193: {  	[sflag:s16] =	ssyncset.done $0x0  }
0x194: {  	s21 =	simm.s32 $0x5;
	s26 =	rddreg [dreg:$0xd];
	[sflag:s16] =	ssyncadd.s32 $0xFFFFC000  }
0x195: {  	[hbm4b:s26+s25] =	stream.linear.scatter [tilespmem:s9], [sflag:$0x6], $0x4000, $0x38;
	[tilespmem:$0x1F000] =	vst v63  }
0x196: {  	_ =	swait.ge [sflag:s21], $0x4000  }
0x197: {  	[sflag:s21] =	ssyncset.done $0x0  }
0x198: {  	[sflag:s21] =	ssyncadd.s32 $0xFFFFC000  }
0x199: {  	v4 =	vld [tilespmem:$0x200];
	_ =	sdelay $0x4  }
0x19a: {  	v5 =	vshll.u32 v4, $0x1  }
0x19b: {  	v4 =	vand.u32 $0x7, v4;
	v5 =	vand.u32 $0xFFFFFFF0, v5  }
0x19c: {  	v4 =	vor.u32 v4, v5  }
0x19d: {  	v5 =	vperm.xlane v4, v1;
	_ =	sdelay $0x1  }
0x19e: {  	v4 =	vperm.xlane v4, v3;
	v5 =	vadd.s32 v2, v5;
	_ =	sdelay $0x1  }
0x19f: {  	v4 =	vadd.s32 v2, v4;
	_ =	sdelay $0x2  }
0x1a0: {  	[tilespmem:s15], [sflag:$0x2] =	stream.indirect_vreg.gather [hbm4b:s1+s25], $0x80, v5, vm0, $0xb8;
	[tilespmem:$0x1F000] =	vst v63  }
0x1a1: {  	s29 =	simm.s32 $0x17800  }
0x1a2: {  	[tilespmem:s29], [sflag:$0x2] =	stream.indirect_vreg.gather [hbm4b:s1+s25], $0x80, v4, vm0, $0xb8;
	[tilespmem:$0x1F000] =	vst v63  }
0x1a3: {  	v4 =	vld [tilespmem:$0x210];
	_ =	sdelay $0x4  }
0x1a4: {  	v5 =	vshll.u32 v4, $0x1  }
0x1a5: {  	v4 =	vand.u32 $0x7, v4;
	v5 =	vand.u32 $0xFFFFFFF0, v5  }
0x1a6: {  	v4 =	vor.u32 v4, v5  }
0x1a7: {  	v5 =	vperm.xlane v4, v1;
	_ =	sdelay $0x1  }
0x1a8: {  	v4 =	vperm.xlane v4, v3;
	v5 =	vadd.s32 v2, v5;
	_ =	sdelay $0x1  }
0x1a9: {  	v4 =	vadd.s32 v2, v4;
	_ =	sdelay $0x1  }
0x1aa: {  	s18 =	simm.s32 $0x18000  }
0x1ab: {  	[tilespmem:s18], [sflag:$0x2] =	stream.indirect_vreg.gather [hbm4b:s1+s25], $0x80, v5, vm0, $0xb8;
	[tilespmem:$0x1F000] =	vst v63  }
0x1ac: {  	s9 =	simm.s32 $0x18800  }
0x1ad: {  	[tilespmem:s9], [sflag:$0x2] =	stream.indirect_vreg.gather [hbm4b:s1+s25], $0x80, v4, vm0, $0xb8;
	[tilespmem:$0x1F000] =	vst v63  }
0x1ae: {  	v4 =	vld [tilespmem:$0x220];
	_ =	sdelay $0x4  }
0x1af: {  	v5 =	vshll.u32 v4, $0x1  }
0x1b0: {  	v4 =	vand.u32 $0x7, v4;
	v5 =	vand.u32 $0xFFFFFFF0, v5  }
0x1b1: {  	v4 =	vor.u32 v4, v5  }
0x1b2: {  	v5 =	vperm.xlane v4, v1;
	_ =	sdelay $0x1  }
0x1b3: {  	v4 =	vperm.xlane v4, v3;
	v5 =	vadd.s32 v2, v5;
	_ =	sdelay $0x1  }
0x1b4: {  	v4 =	vadd.s32 v2, v4;
	_ =	sdelay $0x1  }
0x1b5: {  	s10 =	simm.s32 $0x19000  }
0x1b6: {  	[tilespmem:s10], [sflag:$0x2] =	stream.indirect_vreg.gather [hbm4b:s1+s25], $0x80, v5, vm0, $0xb8;
	[tilespmem:$0x1F000] =	vst v63  }
0x1b7: {  	s11 =	simm.s32 $0x19800  }
0x1b8: {  	[tilespmem:s11], [sflag:$0x2] =	stream.indirect_vreg.gather [hbm4b:s1+s25], $0x80, v4, vm0, $0xb8;
	[tilespmem:$0x1F000] =	vst v63  }
0x1b9: {  	v4 =	vld [tilespmem:$0x230];
	_ =	sdelay $0x4  }
0x1ba: {  	v5 =	vshll.u32 v4, $0x1  }
0x1bb: {  	v4 =	vand.u32 $0x7, v4;
	v5 =	vand.u32 $0xFFFFFFF0, v5  }
0x1bc: {  	v4 =	vor.u32 v4, v5  }
0x1bd: {  	v5 =	vperm.xlane v4, v1;
	_ =	sdelay $0x1  }
0x1be: {  	v4 =	vperm.xlane v4, v3;
	v5 =	vadd.s32 v2, v5;
	_ =	sdelay $0x1  }
0x1bf: {  	s5 =	simm.s32 $0x1A000;
	s17 =	simm.s32 $0x4;
	s4 =	simm.s32 $0x1B000;
	v4 =	vadd.s32 v2, v4  }
0x1c0: {  	s19 =	simm.s32 $0x1A800;
	s12 =	simm.s32 $0x3;
	s13 =	simm.s32 $0x1C000  }
0x1c1: {  	s20 =	simm.s32 $0x1D000;
	s22 =	simm.s32 $0x1;
	s23 =	simm.s32 $0x2  }
0x1c2: {  	[tilespmem:s5], [sflag:$0x2] =	stream.indirect_vreg.gather [hbm4b:s1+s25], $0x80, v5, vm0, $0xb8;
	[tilespmem:$0x1F000] =	vst v63  }
0x1c3: {  	s24 =	simm.s32 $0x6;
	s16 =	simm.s32 $0x1C800;
	s26 =	simm.s32 $0x3B0  }
0x1c4: {  	[tilespmem:s19], [sflag:$0x2] =	stream.indirect_vreg.gather [hbm4b:s1+s25], $0x80, v4, vm0, $0xb8;
	[tilespmem:$0x1F000] =	vst v63  }
.LBB2_10:
0x1c5: {  	_ =	swait.ge [sflag:s22], $0x4000  }
0x1c6: {  	s0 =	rddreg [dreg:$0x6]  }
0x1c7: {  	[sflag:s22] =	ssyncset.done $0x0;
	s29 =	sadd.s32 s25, s0  }
0x1c8: {  	[sflag:s22] =	ssyncadd.s32 $0xFFFFC000;
	s0 =	sadd.s32 $0x1800, s29  }
0x1c9: {  	[hbm4b:s0+s3] =	stream.linear.scatter [tilespmem:s28], [sflag:$0x4], $0x4000, $0x38;
	[tilespmem:$0x1F000] =	vst v63  }
0x1ca: {  	_ =	swait.ge [sflag:s24], $0x4000  }
0x1cb: {  	[sflag:s24] =	ssyncset.done $0x0  }
0x1cc: {  	[sflag:s24] =	ssyncadd.s32 $0xFFFFC000  }
0x1cd: {  	v4 =	vld [tilespmem:s26+$0xFFFFFED0];
	_ =	sdelay $0x4  }
0x1ce: {  	v5 =	vshll.u32 v4, $0x1  }
0x1cf: {  	v4 =	vand.u32 $0x7, v4;
	v5 =	vand.u32 $0xFFFFFFF0, v5  }
0x1d0: {  	v4 =	vor.u32 v4, v5  }
0x1d1: {  	v5 =	vperm.xlane v4, v1;
	_ =	sdelay $0x1  }
0x1d2: {  	v4 =	vperm.xlane v4, v3;
	v5 =	vadd.s32 v2, v5;
	_ =	sdelay $0x1  }
0x1d3: {  	v4 =	vadd.s32 v2, v4;
	_ =	sdelay $0x2  }
0x1d4: {  	[tilespmem:s4], [sflag:$0x3] =	stream.indirect_vreg.gather [hbm4b:s1+s3], $0x80, v5, vm0, $0xb8;
	[tilespmem:$0x1F000] =	vst v63  }
0x1d5: {  	s0 =	simm.s32 $0x1B800  }
0x1d6: {  	[tilespmem:s0], [sflag:$0x3] =	stream.indirect_vreg.gather [hbm4b:s1+s3], $0x80, v4, vm0, $0xb8;
	[tilespmem:$0x1F000] =	vst v63  }
0x1d7: {  	v4 =	vld [tilespmem:s26+$0xFFFFFEE0];
	_ =	sdelay $0x4  }
0x1d8: {  	v5 =	vshll.u32 v4, $0x1  }
0x1d9: {  	v4 =	vand.u32 $0x7, v4;
	v5 =	vand.u32 $0xFFFFFFF0, v5  }
0x1da: {  	v4 =	vor.u32 v4, v5  }
0x1db: {  	v5 =	vperm.xlane v4, v1;
	_ =	sdelay $0x1  }
0x1dc: {  	v4 =	vperm.xlane v4, v3;
	v5 =	vadd.s32 v2, v5;
	_ =	sdelay $0x1  }
0x1dd: {  	v4 =	vadd.s32 v2, v4;
	_ =	sdelay $0x2  }
0x1de: {  	[tilespmem:s13], [sflag:$0x3] =	stream.indirect_vreg.gather [hbm4b:s1+s3], $0x80, v5, vm0, $0xb8;
	[tilespmem:$0x1F000] =	vst v63  }
0x1df: {  	_ = 	snop  }
0x1e0: {  	[tilespmem:s16], [sflag:$0x3] =	stream.indirect_vreg.gather [hbm4b:s1+s3], $0x80, v4, vm0, $0xb8;
	[tilespmem:$0x1F000] =	vst v63  }
0x1e1: {  	v4 =	vld [tilespmem:s26+$0xFFFFFEF0];
	_ =	sdelay $0x4  }
0x1e2: {  	v5 =	vshll.u32 v4, $0x1  }
0x1e3: {  	v4 =	vand.u32 $0x7, v4;
	v5 =	vand.u32 $0xFFFFFFF0, v5  }
0x1e4: {  	v4 =	vor.u32 v4, v5  }
0x1e5: {  	v5 =	vperm.xlane v4, v1;
	_ =	sdelay $0x1  }
0x1e6: {  	v4 =	vperm.xlane v4, v3;
	v5 =	vadd.s32 v2, v5;
	_ =	sdelay $0x1  }
0x1e7: {  	v4 =	vadd.s32 v2, v4;
	_ =	sdelay $0x2  }
0x1e8: {  	[tilespmem:s20], [sflag:$0x3] =	stream.indirect_vreg.gather [hbm4b:s1+s3], $0x80, v5, vm0, $0xb8;
	[tilespmem:$0x1F000] =	vst v63  }
0x1e9: {  	s0 =	simm.s32 $0x1D800  }
0x1ea: {  	[tilespmem:s0], [sflag:$0x3] =	stream.indirect_vreg.gather [hbm4b:s1+s3], $0x80, v4, vm0, $0xb8;
	[tilespmem:$0x1F000] =	vst v63  }
0x1eb: {  	v4 =	vld [tilespmem:s26+$0xFFFFFF00];
	_ =	sdelay $0x4  }
0x1ec: {  	v5 =	vshll.u32 v4, $0x1  }
0x1ed: {  	v4 =	vand.u32 $0x7, v4;
	v5 =	vand.u32 $0xFFFFFFF0, v5  }
0x1ee: {  	v4 =	vor.u32 v4, v5  }
0x1ef: {  	v5 =	vperm.xlane v4, v1;
	_ =	sdelay $0x1  }
0x1f0: {  	v4 =	vperm.xlane v4, v3;
	v5 =	vadd.s32 v2, v5;
	_ =	sdelay $0x1  }
0x1f1: {  	v4 =	vadd.s32 v2, v4;
	_ =	sdelay $0x1  }
0x1f2: {  	s0 =	simm.s32 $0x1E000  }
0x1f3: {  	[tilespmem:s0], [sflag:$0x3] =	stream.indirect_vreg.gather [hbm4b:s1+s3], $0x80, v5, vm0, $0xb8;
	[tilespmem:$0x1F000] =	vst v63  }
0x1f4: {  	s0 =	simm.s32 $0x1E800  }
0x1f5: {  	[tilespmem:s0], [sflag:$0x3] =	stream.indirect_vreg.gather [hbm4b:s1+s3], $0x80, v4, vm0, $0xb8;
	[tilespmem:$0x1F000] =	vst v63  }
0x1f6: {  	_ =	swait.ge [sflag:s23], $0x4000  }
0x1f7: {  	[sflag:s23] =	ssyncset.done $0x0  }
0x1f8: {  	s0 =	sadd.s32 $0x2000, s29;
	[sflag:s23] =	ssyncadd.s32 $0xFFFFC000  }
0x1f9: {  	[hbm4b:s0+s3] =	stream.linear.scatter [tilespmem:s15], [sflag:$0x5], $0x4000, $0x38;
	[tilespmem:$0x1F000] =	vst v63  }
0x1fa: {  	_ =	swait.ge [sflag:s17], $0x4000  }
0x1fb: {  	[sflag:s17] =	ssyncset.done $0x0  }
0x1fc: {  	[sflag:s17] =	ssyncadd.s32 $0xFFFFC000  }
0x1fd: {  	v4 =	vld [tilespmem:s26+$0xFFFFFF50];
	_ =	sdelay $0x4  }
0x1fe: {  	v5 =	vshll.u32 v4, $0x1  }
0x1ff: {  	v4 =	vand.u32 $0x7, v4;
	v5 =	vand.u32 $0xFFFFFFF0, v5  }
0x200: {  	v4 =	vor.u32 v4, v5  }
0x201: {  	v5 =	vperm.xlane v4, v1;
	_ =	sdelay $0x1  }
0x202: {  	v4 =	vperm.xlane v4, v3;
	v5 =	vadd.s32 v2, v5;
	_ =	sdelay $0x1  }
0x203: {  	v4 =	vadd.s32 v2, v4;
	_ =	sdelay $0x2  }
0x204: {  	[tilespmem:s28], [sflag:$0x1] =	stream.indirect_vreg.gather [hbm4b:s1+s3], $0x80, v5, vm0, $0xb8;
	[tilespmem:$0x1F000] =	vst v63  }
0x205: {  	_ = 	snop  }
0x206: {  	[tilespmem:s2], [sflag:$0x1] =	stream.indirect_vreg.gather [hbm4b:s1+s3], $0x80, v4, vm0, $0xb8;
	[tilespmem:$0x1F000] =	vst v63  }
0x207: {  	v4 =	vld [tilespmem:s26+$0xFFFFFF60];
	_ =	sdelay $0x4  }
0x208: {  	v5 =	vshll.u32 v4, $0x1  }
0x209: {  	v4 =	vand.u32 $0x7, v4;
	v5 =	vand.u32 $0xFFFFFFF0, v5  }
0x20a: {  	v4 =	vor.u32 v4, v5  }
0x20b: {  	v5 =	vperm.xlane v4, v1;
	_ =	sdelay $0x1  }
0x20c: {  	v4 =	vperm.xlane v4, v3;
	v5 =	vadd.s32 v2, v5;
	_ =	sdelay $0x1  }
0x20d: {  	v4 =	vadd.s32 v2, v4;
	_ =	sdelay $0x2  }
0x20e: {  	[tilespmem:s30], [sflag:$0x1] =	stream.indirect_vreg.gather [hbm4b:s1+s3], $0x80, v5, vm0, $0xb8;
	[tilespmem:$0x1F000] =	vst v63  }
0x20f: {  	_ = 	snop  }
0x210: {  	[tilespmem:s31], [sflag:$0x1] =	stream.indirect_vreg.gather [hbm4b:s1+s3], $0x80, v4, vm0, $0xb8;
	[tilespmem:$0x1F000] =	vst v63  }
0x211: {  	v4 =	vld [tilespmem:s26+$0xFFFFFF70];
	_ =	sdelay $0x4  }
0x212: {  	v5 =	vshll.u32 v4, $0x1  }
0x213: {  	v4 =	vand.u32 $0x7, v4;
	v5 =	vand.u32 $0xFFFFFFF0, v5  }
0x214: {  	v4 =	vor.u32 v4, v5  }
0x215: {  	v5 =	vperm.xlane v4, v1;
	_ =	sdelay $0x1  }
0x216: {  	v4 =	vperm.xlane v4, v3;
	v5 =	vadd.s32 v2, v5;
	_ =	sdelay $0x1  }
0x217: {  	v4 =	vadd.s32 v2, v4;
	_ =	sdelay $0x1  }
0x218: {  	s0 =	simm.s32 $0x15000  }
0x219: {  	[tilespmem:s0], [sflag:$0x1] =	stream.indirect_vreg.gather [hbm4b:s1+s3], $0x80, v5, vm0, $0xb8;
	[tilespmem:$0x1F000] =	vst v63  }
0x21a: {  	s0 =	simm.s32 $0x15800  }
0x21b: {  	[tilespmem:s0], [sflag:$0x1] =	stream.indirect_vreg.gather [hbm4b:s1+s3], $0x80, v4, vm0, $0xb8;
	[tilespmem:$0x1F000] =	vst v63  }
0x21c: {  	v4 =	vld [tilespmem:s26+$0xFFFFFF80];
	_ =	sdelay $0x4  }
0x21d: {  	v5 =	vshll.u32 v4, $0x1  }
0x21e: {  	v4 =	vand.u32 $0x7, v4;
	v5 =	vand.u32 $0xFFFFFFF0, v5  }
0x21f: {  	v4 =	vor.u32 v4, v5  }
0x220: {  	v5 =	vperm.xlane v4, v1;
	_ =	sdelay $0x1  }
0x221: {  	v4 =	vperm.xlane v4, v3;
	v5 =	vadd.s32 v2, v5;
	_ =	sdelay $0x1  }
0x222: {  	v4 =	vadd.s32 v2, v4;
	_ =	sdelay $0x1  }
0x223: {  	s0 =	simm.s32 $0x16000  }
0x224: {  	[tilespmem:s0], [sflag:$0x1] =	stream.indirect_vreg.gather [hbm4b:s1+s3], $0x80, v5, vm0, $0xb8;
	[tilespmem:$0x1F000] =	vst v63  }
0x225: {  	s0 =	simm.s32 $0x16800  }
0x226: {  	[tilespmem:s0], [sflag:$0x1] =	stream.indirect_vreg.gather [hbm4b:s1+s3], $0x80, v4, vm0, $0xb8;
	[tilespmem:$0x1F000] =	vst v63  }
0x227: {  	_ =	swait.ge [sflag:s12], $0x4000  }
0x228: {  	[sflag:s12] =	ssyncset.done $0x0  }
0x229: {  	s0 =	sadd.s32 $0x2800, s29;
	[sflag:s12] =	ssyncadd.s32 $0xFFFFC000  }
0x22a: {  	[hbm4b:s0+s3] =	stream.linear.scatter [tilespmem:s4], [sflag:$0x6], $0x4000, $0x38;
	[tilespmem:$0x1F000] =	vst v63  }
0x22b: {  	_ =	swait.ge [sflag:s21], $0x4000  }
0x22c: {  	[sflag:s21] =	ssyncset.done $0x0  }
0x22d: {  	[sflag:s21] =	ssyncadd.s32 $0xFFFFC000  }
0x22e: {  	v4 =	vld [tilespmem:s26+$0xFFFFFFD0];
	_ =	sdelay $0x4  }
0x22f: {  	v5 =	vshll.u32 v4, $0x1  }
0x230: {  	v4 =	vand.u32 $0x7, v4;
	v5 =	vand.u32 $0xFFFFFFF0, v5  }
0x231: {  	v4 =	vor.u32 v4, v5  }
0x232: {  	v5 =	vperm.xlane v4, v1;
	_ =	sdelay $0x1  }
0x233: {  	v4 =	vperm.xlane v4, v3;
	v5 =	vadd.s32 v2, v5;
	_ =	sdelay $0x1  }
0x234: {  	v4 =	vadd.s32 v2, v4;
	_ =	sdelay $0x2  }
0x235: {  	[tilespmem:s15], [sflag:$0x2] =	stream.indirect_vreg.gather [hbm4b:s1+s3], $0x80, v5, vm0, $0xb8;
	[tilespmem:$0x1F000] =	vst v63  }
0x236: {  	s29 =	simm.s32 $0x17800  }
0x237: {  	[tilespmem:s29], [sflag:$0x2] =	stream.indirect_vreg.gather [hbm4b:s1+s3], $0x80, v4, vm0, $0xb8;
	[tilespmem:$0x1F000] =	vst v63  }
0x238: {  	v4 =	vld [tilespmem:s26+$0xFFFFFFE0];
	_ =	sdelay $0x4  }
0x239: {  	v5 =	vshll.u32 v4, $0x1  }
0x23a: {  	v4 =	vand.u32 $0x7, v4;
	v5 =	vand.u32 $0xFFFFFFF0, v5  }
0x23b: {  	v4 =	vor.u32 v4, v5  }
0x23c: {  	v5 =	vperm.xlane v4, v1;
	_ =	sdelay $0x1  }
0x23d: {  	v4 =	vperm.xlane v4, v3;
	v5 =	vadd.s32 v2, v5;
	_ =	sdelay $0x1  }
0x23e: {  	v4 =	vadd.s32 v2, v4;
	_ =	sdelay $0x2  }
0x23f: {  	[tilespmem:s18], [sflag:$0x2] =	stream.indirect_vreg.gather [hbm4b:s1+s3], $0x80, v5, vm0, $0xb8;
	[tilespmem:$0x1F000] =	vst v63  }
0x240: {  	_ = 	snop  }
0x241: {  	[tilespmem:s9], [sflag:$0x2] =	stream.indirect_vreg.gather [hbm4b:s1+s3], $0x80, v4, vm0, $0xb8;
	[tilespmem:$0x1F000] =	vst v63  }
0x242: {  	v4 =	vld [tilespmem:s26+$0xFFFFFFF0];
	_ =	sdelay $0x4  }
0x243: {  	v5 =	vshll.u32 v4, $0x1  }
0x244: {  	v4 =	vand.u32 $0x7, v4;
	v5 =	vand.u32 $0xFFFFFFF0, v5  }
0x245: {  	v4 =	vor.u32 v4, v5  }
0x246: {  	v5 =	vperm.xlane v4, v1;
	_ =	sdelay $0x1  }
0x247: {  	v4 =	vperm.xlane v4, v3;
	v5 =	vadd.s32 v2, v5;
	_ =	sdelay $0x1  }
0x248: {  	v4 =	vadd.s32 v2, v4;
	_ =	sdelay $0x2  }
0x249: {  	[tilespmem:s10], [sflag:$0x2] =	stream.indirect_vreg.gather [hbm4b:s1+s3], $0x80, v5, vm0, $0xb8;
	[tilespmem:$0x1F000] =	vst v63  }
0x24a: {  	_ = 	snop  }
0x24b: {  	[tilespmem:s11], [sflag:$0x2] =	stream.indirect_vreg.gather [hbm4b:s1+s3], $0x80, v4, vm0, $0xb8;
	[tilespmem:$0x1F000] =	vst v63  }
0x24c: {  	v4 =	vld [tilespmem:s26+$0x0];
	_ =	sdelay $0x4  }
0x24d: {  	v5 =	vshll.u32 v4, $0x1  }
0x24e: {  	v4 =	vand.u32 $0x7, v4;
	v5 =	vand.u32 $0xFFFFFFF0, v5  }
0x24f: {  	v4 =	vor.u32 v4, v5  }
0x250: {  	v5 =	vperm.xlane v4, v1;
	_ =	sdelay $0x1  }
0x251: {  	v4 =	vperm.xlane v4, v3;
	v5 =	vadd.s32 v2, v5;
	_ =	sdelay $0x1  }
0x252: {  	p0 =	sne.s32 s25, $0xC000;
	v4 =	vadd.s32 v2, v4  }
.Ltmp4:
0x253: {  	_ = 	snop;
	(pc) =	sbr.rel @p0 .LBB2_10-.Ltmp4, $4  }
0x254: {  	_ = 	snop  }
0x255: {  	[tilespmem:s5], [sflag:$0x2] =	stream.indirect_vreg.gather [hbm4b:s1+s3], $0x80, v5, vm0, $0xb8;
	[tilespmem:$0x1F000] =	vst v63  }
0x256: {  	s25 =	sadd.s32 $0x1800, s25;
	s26 =	sadd.s32 $0x180, s26  }
0x257: {  	[tilespmem:s19], [sflag:$0x2] =	stream.indirect_vreg.gather [hbm4b:s1+s3], $0x80, v4, vm0, $0xb8;
	[tilespmem:$0x1F000] =	vst v63  }
0x258: {  	_ =	swait.ge [sflag:s22], $0x4000  }
0x259: {  	[sflag:s22] =	ssyncset.done $0x0  }
0x25a: {  	s0 =	rddreg [dreg:$0xe];
	[sflag:s22] =	ssyncadd.s32 $0xFFFFC000  }
0x25b: {  	[hbm4b:s0+s3] =	stream.linear.scatter [tilespmem:s28], [sflag:$0x4], $0x4000, $0x38;
	[tilespmem:$0x1F000] =	vst v63  }
0x25c: {  	_ =	swait.ge [sflag:s24], $0x4000  }
0x25d: {  	[sflag:s24] =	ssyncset.done $0x0  }
0x25e: {  	[sflag:s24] =	ssyncadd.s32 $0xFFFFC000  }
0x25f: {  	_ =	swait.ge [sflag:s23], $0x4000  }
0x260: {  	[sflag:s23] =	ssyncset.done $0x0  }
0x261: {  	s24 =	rddreg [dreg:$0xf];
	[sflag:s23] =	ssyncadd.s32 $0xFFFFC000  }
0x262: {  	[hbm4b:s24+s3] =	stream.linear.scatter [tilespmem:s15], [sflag:$0x5], $0x4000, $0x38;
	[tilespmem:$0x1F000] =	vst v63  }
0x263: {  	_ =	swait.ge [sflag:s17], $0x4000  }
0x264: {  	[sflag:s17] =	ssyncset.done $0x0  }
0x265: {  	[sflag:s17] =	ssyncadd.s32 $0xFFFFC000  }
0x266: {  	s13 =	simm.s32 $0x15000;
	s16 =	simm.s32 $0x15800;
	_ =	swait.ge [sflag:s21], $0x4000  }
0x267: {  	s12 =	simm.s32 $0x16800;
	s18 =	simm.s32 $0x18000;
	s26 =	rddreg [dreg:$0x11]  }
0x268: {  	s9 =	simm.s32 $0x18800;
	s25 =	rddreg [dreg:$0x10];
	s26 =	sadd.s32 $0x1, s26  }
0x269: {  	s10 =	simm.s32 $0x19000;
	s11 =	simm.s32 $0x19800;
	p0 =	sne.s32 s26, s25  }
.Ltmp5:
0x26a: {  	s5 =	simm.s32 $0x1A000;
	s19 =	simm.s32 $0x1A800;
	(pc) =	sbr.rel @p0 .LBB2_1-.Ltmp5, $4  }
0x26b: {  	s4 =	simm.s32 $0x1;
	s20 =	simm.s32 $0x2;
	s22 =	simm.s32 $0x1B800  }
0x26c: {  	s28 =	simm.s32 $0x7;
	s23 =	simm.s32 $0x4;
	s15 =	simm.s32 $0x17000  }
0x26d: {  	s24 =	simm.s32 $0x1C000;
	s17 =	simm.s32 $0x16000;
	[sflag:s21] =	ssyncset.done $0x0  }
0x26e: {  	[sflag:s21] =	ssyncadd.s32 $0xFFFFC000;
	s21 =	simm.s32 $0x1E000;
	s25 =	simm.s32 $0x13000  }
0x26f: {  	_ =	sfence.sel $0x180000  }
0x270: {  	[bflag:$0x0] =	sbarrier.arrive $0xFFFF  }
0x271: {  	_ =	strace $0x90000047  }
0x272: {  	s0 =	stileid.u32;
	[bflag:$0x2] =	sbarrier.arrive $0xFFFF  }
0x273: {  	p0 =	sne.s32 s0, $0x0;
	s0 =	rddreg [dreg:$0x5]  }
0x274: {  	s0 =	sadd.s32 @!p0 $0x100000, s0  }
0x275: {  	[sflag:s0] =	ssyncadd.tile.s32 @!p0 $0x1;
	_ =	shalt  }
.Lfunc_end2:
_tile_overlayer_lowered:
.L_overlay_start_2:
0x276: {  	(tag) =	ssettag $0x2  }
0x277: {  	s0 =	rddreg [dreg:$0x0];
	s2 =	stileid.u32  }
0x278: {  	s1 =	rddreg [dreg:$0x1];
	p0 =	sne.s32 s2, $0x0  }
0x279: {  	s3 =	rddreg [dreg:$0x2];
	[bflag:$0x3] =	sbarrier.arrive $0xFFFF;
	s2 =	simm.s32 @!p0 $0x1C07  }
0x27a: {  	[timem:s3], [sflag:s2] =	dma.local @!p0 [hbm:s0], s1  }
0x27b: {  	s0 =	simm.s32 @!p0 $0x7  }
0x27c: {  	_ =	swait.ge @!p0 [sflag:s0], s1  }
0x27d: {  	s1 =	ssub.s32 @!p0 $0x0, s1;
	[sflag:s0] =	ssyncset.done @!p0 $0x0  }
0x27e: {  	[sflag:s0] =	ssyncadd.s32 @!p0 s1  }
0x27f: {  	[bflag:$0x3] =	sbarrier.arrive $0xFFFF  }
0x280: {  	_ =	shalt  }

</sc_bundles>
